<compile_context>
chip_gen: v7x
topology: tpu7x:2x2x1
jax: 0.10.2.dev20260603
libtpu: 0.0.44.dev20260713+nightly
codegen_flags: <defaults>
</compile_context>

<pallas_src>
import functools

import numpy as np

import jax
import jax.numpy as jnp
from jax import lax
from jax.experimental import pallas as pl
from jax.experimental.pallas import tpu as pltpu
from jax.experimental.pallas import tpu_sc as plsc

_ANCHOR_SIZES = [64.0, 128.0, 256.0]
_ANCHOR_RATIOS = [float(np.sqrt(r)) for r in [0.5, 1.0, 2.0]]
_ANCHORS = np.array(
    [[s * r, s / r] for s in _ANCHOR_SIZES for r in _ANCHOR_RATIOS],
    dtype=np.float32,
)

_PRE_NMS = 6000
_POST_NMS = 300
_IOU_THR = 0.7
_NEG = -1e9
_BIG_IDX = 1 << 30
_N = 9216
_ROWS = 72
_CROWS = 48
_NC = 6144
_LANES = 128
_B = 4


def _iota2(shape, dim):
    return jax.lax.broadcasted_iota(jnp.int32, shape, dim)


def _redmax(x):
    return jnp.max(jnp.max(x, axis=2, keepdims=True), axis=1, keepdims=True)


def _redmin(x):
    return jnp.min(jnp.min(x, axis=2, keepdims=True), axis=1, keepdims=True)


def _redsum(x):
    return jnp.sum(jnp.sum(x, axis=2, keepdims=True), axis=1, keepdims=True)



def _prep_body(s_ref, tx_ref, ty_ref, tw_ref, th_ref,
               act_ref, pos_ref, x1_ref, y1_ref, x2_ref, y2_ref):
    s = s_ref[...]
    shape3 = s.shape

    flat = _iota2((_ROWS, _LANES), 0) * _LANES + _iota2((_ROWS, _LANES), 1)
    a_idx = flat >> 10
    hw = flat & 1023
    hh = (hw >> 5).astype(jnp.float32)
    ww = (hw & 31).astype(jnp.float32)

    wa = jnp.zeros((_ROWS, _LANES), jnp.float32)
    ha = jnp.zeros((_ROWS, _LANES), jnp.float32)
    for k in range(9):
        sel = a_idx == k
        wa = jnp.where(sel, jnp.float32(_ANCHORS[k, 0]), wa)
        ha = jnp.where(sel, jnp.float32(_ANCHORS[k, 1]), ha)

    px = (ww + 0.5) * 16.0
    py = (hh + 0.5) * 16.0
    ax1 = px - wa / 2.0
    ay1 = py - ha / 2.0
    cx = ax1 + 0.5 * wa
    cy = ay1 + 0.5 * ha

    ncx = cx + tx_ref[...] * wa
    ncy = cy + ty_ref[...] * ha
    nw = wa * jnp.exp(tw_ref[...])
    nh = ha * jnp.exp(th_ref[...])
    x1_ref[...] = jnp.clip(ncx - 0.5 * nw, 0.0, 511.0)
    y1_ref[...] = jnp.clip(ncy - 0.5 * nh, 0.0, 511.0)
    x2_ref[...] = jnp.clip(ncx + 0.5 * nw, 0.0, 511.0)
    y2_ref[...] = jnp.clip(ncy + 0.5 * nh, 0.0, 511.0)

    s_bits = jax.lax.bitcast_convert_type(s, jnp.int32)

    def bs_step(_, carry):
        lo, hi = carry
        mid = (lo + hi) >> 1
        cnt = _redsum(jnp.where(s_bits > mid, 1.0, 0.0))
        pred = cnt < float(_PRE_NMS)
        return jnp.where(pred, lo, mid + 1), jnp.where(pred, mid, hi)

    lo0 = jnp.zeros((_B, 1, 1), jnp.int32)
    hi0 = jnp.full((_B, 1, 1), 0x3F800000, jnp.int32)
    lo_f, _ = jax.lax.fori_loop(0, 31, bs_step, (lo0, hi0))
    thr = jax.lax.bitcast_convert_type(lo_f, jnp.float32)

    gt = s > thr
    eq = s == thr
    cg = _redsum(jnp.where(gt, 1.0, 0.0))
    r_adm = float(_PRE_NMS) - cg

    eqf = jnp.where(eq, 1.0, 0.0).reshape(_B * _ROWS, _LANES)
    lane_lt = jnp.where(
        _iota2((_LANES, _LANES), 0) < _iota2((_LANES, _LANES), 1), 1.0, 0.0)
    in_row = jax.lax.dot(eqf, lane_lt,
                         precision=jax.lax.Precision.HIGHEST,
                         preferred_element_type=jnp.float32)
    rowsum = jnp.sum(eqf, axis=1, keepdims=True)
    p = _iota2((_B * _ROWS, _B * _ROWS), 0)
    q = _iota2((_B * _ROWS, _B * _ROWS), 1)
    row_lt = jnp.where(((p // _ROWS) == (q // _ROWS)) & (q < p), 1.0, 0.0)
    row_off = jax.lax.dot(row_lt, rowsum,
                          precision=jax.lax.Precision.HIGHEST,
                          preferred_element_type=jnp.float32)
    prefix = (in_row + row_off).reshape(shape3)

    member = gt | (eq & (prefix < r_adm))
    act_ref[...] = jnp.where(member, s, _NEG)

    mf = jnp.where(member, 1.0, 0.0).reshape(_B * _ROWS, _LANES)
    m_in_row = jax.lax.dot(mf, lane_lt,
                           precision=jax.lax.Precision.HIGHEST,
                           preferred_element_type=jnp.float32)
    m_rowsum = jnp.sum(mf, axis=1, keepdims=True)
    m_row_off = jax.lax.dot(row_lt, m_rowsum,
                            precision=jax.lax.Precision.HIGHEST,
                            preferred_element_type=jnp.float32)
    pos_ref[...] = (m_in_row + m_row_off).reshape(shape3).astype(jnp.int32)



_SC_CHUNKS = _N // 16


def _compact_sc(act, pos, x1, y1, x2, y2):
    mesh = plsc.VectorSubcoreMesh(core_axis_name="c", subcore_axis_name="s")
    out_type = tuple(jax.ShapeDtypeStruct((_B, _NC), jnp.float32)
                     for _ in range(5))
    scratch = ([pltpu.VMEM((_N,), jnp.float32) for _ in range(5)]
               + [pltpu.VMEM((_N,), jnp.int32)]
               + [pltpu.VMEM((_NC,), jnp.float32) for _ in range(5)])

    @functools.partial(
        pl.kernel, out_type=out_type, mesh=mesh, scratch_types=scratch,
        compiler_params=pltpu.CompilerParams(needs_layout_passes=False))
    def k(act_h, pos_h, x1_h, y1_h, x2_h, y2_h,
          oa_h, o1_h, o2_h, o3_h, o4_h,
          av, v1, v2, v3, v4, pv, oa, o1, o2, o3, o4):
        wid = lax.axis_index("s") * 2 + lax.axis_index("c")

        @pl.when(wid < _B)
        def _():
            pltpu.sync_copy(act_h.at[wid], av)
            pltpu.sync_copy(pos_h.at[wid], pv)
            pltpu.sync_copy(x1_h.at[wid], v1)
            pltpu.sync_copy(y1_h.at[wid], v2)
            pltpu.sync_copy(x2_h.at[wid], v3)
            pltpu.sync_copy(y2_h.at[wid], v4)

            def chunk(i, _):
                base = i * 16
                s16 = av[pl.ds(base, 16)]
                m = s16 > jnp.float32(-1e8)
                posv = pv[pl.ds(base, 16)]
                plsc.store_scatter(oa, [posv], s16, mask=m)
                plsc.store_scatter(o1, [posv], v1[pl.ds(base, 16)], mask=m)
                plsc.store_scatter(o2, [posv], v2[pl.ds(base, 16)], mask=m)
                plsc.store_scatter(o3, [posv], v3[pl.ds(base, 16)], mask=m)
                plsc.store_scatter(o4, [posv], v4[pl.ds(base, 16)], mask=m)
                return 0

            lax.fori_loop(0, _SC_CHUNKS, chunk, 0, unroll=False)

            negv = jnp.full((16,), _NEG, jnp.float32)
            zerov = jnp.zeros((16,), jnp.float32)
            for j in range((_NC - _PRE_NMS) // 16):
                base = _PRE_NMS + j * 16
                oa[pl.ds(base, 16)] = negv
                o1[pl.ds(base, 16)] = zerov
                o2[pl.ds(base, 16)] = zerov
                o3[pl.ds(base, 16)] = zerov
                o4[pl.ds(base, 16)] = zerov

            pltpu.sync_copy(oa, oa_h.at[wid])
            pltpu.sync_copy(o1, o1_h.at[wid])
            pltpu.sync_copy(o2, o2_h.at[wid])
            pltpu.sync_copy(o3, o3_h.at[wid])
            pltpu.sync_copy(o4, o4_h.at[wid])

    return k(act, pos, x1, y1, x2, y2)



def _scan_body(act_ref, x1_ref, y1_ref, x2_ref, y2_ref, out_ref):
    act0 = act_ref[...]
    bx1 = x1_ref[...]
    by1 = y1_ref[...]
    bx2 = x2_ref[...]
    by2 = y2_ref[...]
    area = jnp.maximum(bx2 - bx1, 0.0) * jnp.maximum(by2 - by1, 0.0)
    flat = _iota2((_CROWS, _LANES), 0) * _LANES + _iota2((_CROWS, _LANES), 1)

    m0 = _redmax(act0)
    i0 = _redmin(jnp.where(act0 == m0, flat, _BIG_IDX))

    def step(t, active):
        m = _redmax(active)
        wi_raw = _redmin(jnp.where(active == m, flat, _BIG_IDX))
        wi = jnp.where(m > _NEG, wi_raw, i0)
        onehot = flat == wi
        wx1 = _redmax(jnp.where(onehot, bx1, _NEG))
        wy1 = _redmax(jnp.where(onehot, by1, _NEG))
        wx2 = _redmax(jnp.where(onehot, bx2, _NEG))
        wy2 = _redmax(jnp.where(onehot, by2, _NEG))

        xx1 = jnp.maximum(wx1, bx1)
        yy1 = jnp.maximum(wy1, by1)
        xx2 = jnp.minimum(wx2, bx2)
        yy2 = jnp.minimum(wy2, by2)
        inter = jnp.maximum(xx2 - xx1, 0.0) * jnp.maximum(yy2 - yy1, 0.0)
        wa1 = jnp.maximum(wx2 - wx1, 0.0) * jnp.maximum(wy2 - wy1, 0.0)
        iou = inter / (wa1 + area - inter + 1e-8)

        new_active = jnp.where(iou > _IOU_THR, _NEG, active)
        new_active = jnp.where(onehot, _NEG, new_active)

        row = jnp.concatenate([wx1, wy1, wx2, wy2], axis=2)
        out_ref[t] = row.reshape(_B, 4)
        return new_active

    jax.lax.fori_loop(0, _POST_NMS, step, act0)


def kernel(rpn_scores, rpn_deltas, input_image):
    del input_image
    s = rpn_scores.reshape(_B, _ROWS, _LANES)
    tx = rpn_deltas[:, 0::4].reshape(_B, _ROWS, _LANES)
    ty = rpn_deltas[:, 1::4].reshape(_B, _ROWS, _LANES)
    tw = rpn_deltas[:, 2::4].reshape(_B, _ROWS, _LANES)
    th = rpn_deltas[:, 3::4].reshape(_B, _ROWS, _LANES)

    shp = jax.ShapeDtypeStruct((_B, _ROWS, _LANES), jnp.float32)
    shp_i = jax.ShapeDtypeStruct((_B, _ROWS, _LANES), jnp.int32)
    act, pos, x1, y1, x2, y2 = pl.pallas_call(
        _prep_body,
        out_shape=(shp, shp_i, shp, shp, shp, shp),
    )(s, tx, ty, tw, th)

    flat2 = lambda a: a.reshape(_B, _N)
    act_c, x1_c, y1_c, x2_c, y2_c = _compact_sc(
        flat2(act), flat2(pos), flat2(x1), flat2(y1), flat2(x2), flat2(y2))

    r3 = lambda a: a.reshape(_B, _CROWS, _LANES)
    out = pl.pallas_call(
        _scan_body,
        out_shape=jax.ShapeDtypeStruct((_POST_NMS, _B, 4), jnp.float32),
    )(r3(act_c), r3(x1_c), r3(y1_c), r3(x2_c), r3(y2_c))
    return out.transpose(1, 0, 2)

# --- scband reference (transcript-rebuilt; emitter-appended) ---
"""Pipeline reference for scband-proposal-20169166422189 (READ-ONLY COPY).

The authoritative reference and input builder live on the scoring server;
editing this copy changes nothing except your own understanding.
"""

import jax, jax.numpy as jnp
import numpy as np

ANCHOR_SIZES = [64.0, 128.0, 256.0]
ANCHOR_RATIOS = [float(np.sqrt(r)) for r in [0.5, 1.0, 2.0]]
STD_SCALING = 1.0
RPN_STRIDE = 16
PRE_NMS = 6000
POST_NMS = 300
IOU_THR = 0.7
BS = 4


def make_anchors():
    return np.array([[s * r, s / r] for s in ANCHOR_SIZES for r in ANCHOR_RATIOS], dtype=np.float32)


def setup_inputs(seed: int = 0) -> dict:
    key = jax.random.key(seed)
    k1, k2, k3 = jax.random.split(key, 3)
    rpn_scores = jax.random.uniform(k1, (4, 9, 32, 32), dtype=jnp.float32)
    rpn_deltas = jax.random.normal(k2, (4, 36, 32, 32), dtype=jnp.float32)
    input_image = jax.random.normal(k3, (4, 3, 512, 512), dtype=jnp.float32)
    return {"rpn_scores": rpn_scores, "rpn_deltas": rpn_deltas, "input_image": input_image}


def _build_anchors(rpn_h, rpn_w):
    ancs = jnp.asarray(make_anchors())  # (A, 2) as (w, h)
    A = ancs.shape[0]
    xs = jnp.arange(rpn_w, dtype=jnp.float32)
    ys = jnp.arange(rpn_h, dtype=jnp.float32)
    anc_x, anc_y = jnp.meshgrid(xs, ys)  # (H, W) each, 'xy' indexing like tf.meshgrid
    anc_pos = RPN_STRIDE * (jnp.stack((anc_x, anc_y), axis=-1) + 0.5)  # (H, W, 2)
    anc_pos = jnp.broadcast_to(anc_pos.reshape(rpn_h, rpn_w, 1, 2), (rpn_h, rpn_w, A, 2))
    anc_left_top = anc_pos - ancs / 2.0
    wh = jnp.broadcast_to(ancs, anc_left_top.shape)
    full = jnp.concatenate((anc_left_top, wh), axis=-1)  # (H, W, A, 4) as (x1, y1, w, h)
    full = jnp.broadcast_to(full, (BS,) + full.shape)
    return full.reshape(-1, 4)


def _apply_deltas(anc, dl):
    x1, y1, w, h = anc[:, 0], anc[:, 1], anc[:, 2], anc[:, 3]
    cx = x1 + 0.5 * w
    cy = y1 + 0.5 * h
    tx, ty, tw, th = dl[:, 0], dl[:, 1], dl[:, 2], dl[:, 3]
    ncx = cx + tx * w
    ncy = cy + ty * h
    nw = w * jnp.exp(tw)
    nh = h * jnp.exp(th)
    return jnp.stack((ncx - 0.5 * nw, ncy - 0.5 * nh, ncx + 0.5 * nw, ncy + 0.5 * nh), axis=-1)


def _clip(boxes, iw, ih):
    x1 = jnp.clip(boxes[:, 0], 0.0, iw - 1.0)
    y1 = jnp.clip(boxes[:, 1], 0.0, ih - 1.0)
    x2 = jnp.clip(boxes[:, 2], 0.0, iw - 1.0)
    y2 = jnp.clip(boxes[:, 3], 0.0, ih - 1.0)
    return jnp.stack((x1, y1, x2, y2), axis=-1)


def _iou_one_vs_all(box, boxes):
    xx1 = jnp.maximum(box[0], boxes[:, 0])
    yy1 = jnp.maximum(box[1], boxes[:, 1])
    xx2 = jnp.minimum(box[2], boxes[:, 2])
    yy2 = jnp.minimum(box[3], boxes[:, 3])
    inter = jnp.maximum(xx2 - xx1, 0.0) * jnp.maximum(yy2 - yy1, 0.0)
    a1 = jnp.maximum(box[2] - box[0], 0.0) * jnp.maximum(box[3] - box[1], 0.0)
    a2 = jnp.maximum(boxes[:, 2] - boxes[:, 0], 0.0) * jnp.maximum(boxes[:, 3] - boxes[:, 1], 0.0)
    return inter / (a1 + a2 - inter + 1e-8)


def _nms_single(boxes, scores):
    # pre-NMS top N
    sc, idx = jax.lax.top_k(scores, PRE_NMS)
    bx = boxes[idx]

    # greedy NMS: pick highest remaining score, suppress overlaps, repeat
    def step(active, _):
        i = jnp.argmax(active)
        iou = _iou_one_vs_all(bx[i], bx)
        new_active = jnp.where(iou > IOU_THR, -1e9, active)
        new_active = new_active.at[i].set(-1e9)
        return new_active, i

    _, keep = jax.lax.scan(step, sc, None, length=POST_NMS)
    return bx[keep]  # (POST_NMS, 4)


def reference(rpn_scores, rpn_deltas, input_image):
    rpn_deltas = rpn_deltas * (1.0 / STD_SCALING)
    B, A, H, W = rpn_scores.shape
    image_h = float(input_image.shape[2])
    image_w = float(input_image.shape[3])
    # deltas: (B, 4A, H, W) -> (B, H, W, 4A) -> (-1, 4), ordered B,H,W,A
    dl = jnp.transpose(rpn_deltas, (0, 2, 3, 1)).reshape(-1, 4)
    anc = _build_anchors(H, W)
    all_boxes = _apply_deltas(anc, dl)
    # (B,H,W,A,4) -> (B,A,H,W,4) to match score flattening order
    all_boxes = all_boxes.reshape(B, H, W, A, 4).transpose(0, 3, 1, 2, 4).reshape(-1, 4)
    all_boxes = _clip(all_boxes, image_w, image_h)
    all_boxes = all_boxes.reshape(B, -1, 4)
    all_probs = rpn_scores.reshape(B, -1)
    rois = jax.vmap(_nms_single)(all_boxes, all_probs)
    return rois

if __name__ == "__main__":
    import jax
    _d = setup_inputs()
    print(jax.jit(kernel)(*tuple(_d.values())))

</pallas_src>

<mosaic_0001>
#map = affine_map<(d0, d1) -> (0, 0)>
module attributes {stable_mosaic.version = 14 : i64} {
  func.func @k(%arg0: i32, %arg1: i32, %arg2: memref<4x9216xf32, #tpu.memory_space<hbm>>, %arg3: memref<4x9216xi32, #tpu.memory_space<hbm>>, %arg4: memref<4x9216xf32, #tpu.memory_space<hbm>>, %arg5: memref<4x9216xf32, #tpu.memory_space<hbm>>, %arg6: memref<4x9216xf32, #tpu.memory_space<hbm>>, %arg7: memref<4x9216xf32, #tpu.memory_space<hbm>>, %arg8: memref<4x6144xf32, #tpu.memory_space<hbm>>, %arg9: memref<4x6144xf32, #tpu.memory_space<hbm>>, %arg10: memref<4x6144xf32, #tpu.memory_space<hbm>>, %arg11: memref<4x6144xf32, #tpu.memory_space<hbm>>, %arg12: memref<4x6144xf32, #tpu.memory_space<hbm>>, %arg13: memref<9216xf32, #tpu.memory_space<vmem>>, %arg14: memref<9216xf32, #tpu.memory_space<vmem>>, %arg15: memref<9216xf32, #tpu.memory_space<vmem>>, %arg16: memref<9216xf32, #tpu.memory_space<vmem>>, %arg17: memref<9216xf32, #tpu.memory_space<vmem>>, %arg18: memref<9216xi32, #tpu.memory_space<vmem>>, %arg19: memref<6144xf32, #tpu.memory_space<vmem>>, %arg20: memref<6144xf32, #tpu.memory_space<vmem>>, %arg21: memref<6144xf32, #tpu.memory_space<vmem>>, %arg22: memref<6144xf32, #tpu.memory_space<vmem>>, %arg23: memref<6144xf32, #tpu.memory_space<vmem>>) attributes {dimension_semantics = [#tpu.dimension_semantics<core_parallel>, #tpu.dimension_semantics<subcore_parallel>], iteration_bounds = array<i64: 2, 16>, scalar_prefetch = 0 : i64, scratch_operands = 11 : i64, tpu.core_type = #tpu.core_type<sc_vector_subcore>, window_params = [{transform_indices = #map}, {transform_indices = #map}, {transform_indices = #map}, {transform_indices = #map}, {transform_indices = #map}, {transform_indices = #map}, {transform_indices = #map}, {transform_indices = #map}, {transform_indices = #map}, {transform_indices = #map}, {transform_indices = #map}]} {
    %mul3A = arith.constant 2 : i32
    %mul3A_0 = arith.muli %arg1, %mul3A : i32
    %add3A = arith.addi %mul3A_0, %arg0 : i32
    %lt3A = arith.constant 4 : i32
    %lt3A_1 = arith.cmpi slt, %add3A, %lt3A : i32
    %convert_element_type3A = arith.extui %lt3A_1 : i1 to i32
    %cond3A = arith.constant 0 : i32
    %cond3A_2 = arith.cmpi ne, %convert_element_type3A, %cond3A : i32
    scf.if %cond3A_2 {
      "tpu.region"() ({
        %run_scoped3A = tpu.sem_alloc : memref<!tpu.dma_semaphore, #tpu.memory_space<semaphore_mem>>
        %dma_start3A = arith.constant 0 : i32
        %dma_start3A_101 = tpu.memref_slice %arg2[%add3A, %dma_start3A] : memref<4x9216xf32, #tpu.memory_space<hbm>> -> memref<1x9216xf32, #tpu.memory_space<hbm>>
        %dma_start3A_102 = tpu.memref_squeeze %dma_start3A_101 : memref<1x9216xf32, #tpu.memory_space<hbm>> -> memref<9216xf32, #tpu.memory_space<hbm>>
        %dma_start3A_103 = arith.constant 0 : i32
        %dma_start3A_104 = tpu.memref_slice %arg2[%add3A, %dma_start3A_103] : memref<4x9216xf32, #tpu.memory_space<hbm>> -> memref<1x9216xf32, #tpu.memory_space<hbm>>
        %dma_start3A_105 = tpu.memref_squeeze %dma_start3A_104 : memref<1x9216xf32, #tpu.memory_space<hbm>> -> memref<9216xf32, #tpu.memory_space<hbm>>
        tpu.enqueue_dma source(%dma_start3A_105 : memref<9216xf32, #tpu.memory_space<hbm>>) target(%arg13 : memref<9216xf32, #tpu.memory_space<vmem>>) target_semaphore(%run_scoped3A : memref<!tpu.dma_semaphore, #tpu.memory_space<semaphore_mem>>)
        %dma_wait3A = arith.constant 0 : i32
        %dma_wait3A_106 = tpu.memref_slice %arg2[%add3A, %dma_wait3A] : memref<4x9216xf32, #tpu.memory_space<hbm>> -> memref<1x9216xf32, #tpu.memory_space<hbm>>
        %dma_wait3A_107 = tpu.memref_squeeze %dma_wait3A_106 : memref<1x9216xf32, #tpu.memory_space<hbm>> -> memref<9216xf32, #tpu.memory_space<hbm>>
        %dma_wait3A_108 = arith.constant 0 : i32
        %dma_wait3A_109 = tpu.memref_slice %arg2[%add3A, %dma_wait3A_108] : memref<4x9216xf32, #tpu.memory_space<hbm>> -> memref<1x9216xf32, #tpu.memory_space<hbm>>
        %dma_wait3A_110 = tpu.memref_squeeze %dma_wait3A_109 : memref<1x9216xf32, #tpu.memory_space<hbm>> -> memref<9216xf32, #tpu.memory_space<hbm>>
        tpu.wait_dma2 semaphore(%run_scoped3A : memref<!tpu.dma_semaphore, #tpu.memory_space<semaphore_mem>>) src(%dma_wait3A_110 : memref<9216xf32, #tpu.memory_space<hbm>>) dst(%arg13 : memref<9216xf32, #tpu.memory_space<vmem>>)
        tpu.yield
      }) : () -> ()
      "tpu.region"() ({
        %run_scoped3A = tpu.sem_alloc : memref<!tpu.dma_semaphore, #tpu.memory_space<semaphore_mem>>
        %dma_start3A = arith.constant 0 : i32
        %dma_start3A_101 = tpu.memref_slice %arg3[%add3A, %dma_start3A] : memref<4x9216xi32, #tpu.memory_space<hbm>> -> memref<1x9216xi32, #tpu.memory_space<hbm>>
        %dma_start3A_102 = tpu.memref_squeeze %dma_start3A_101 : memref<1x9216xi32, #tpu.memory_space<hbm>> -> memref<9216xi32, #tpu.memory_space<hbm>>
        %dma_start3A_103 = arith.constant 0 : i32
        %dma_start3A_104 = tpu.memref_slice %arg3[%add3A, %dma_start3A_103] : memref<4x9216xi32, #tpu.memory_space<hbm>> -> memref<1x9216xi32, #tpu.memory_space<hbm>>
        %dma_start3A_105 = tpu.memref_squeeze %dma_start3A_104 : memref<1x9216xi32, #tpu.memory_space<hbm>> -> memref<9216xi32, #tpu.memory_space<hbm>>
        tpu.enqueue_dma source(%dma_start3A_105 : memref<9216xi32, #tpu.memory_space<hbm>>) target(%arg18 : memref<9216xi32, #tpu.memory_space<vmem>>) target_semaphore(%run_scoped3A : memref<!tpu.dma_semaphore, #tpu.memory_space<semaphore_mem>>)
        %dma_wait3A = arith.constant 0 : i32
        %dma_wait3A_106 = tpu.memref_slice %arg3[%add3A, %dma_wait3A] : memref<4x9216xi32, #tpu.memory_space<hbm>> -> memref<1x9216xi32, #tpu.memory_space<hbm>>
        %dma_wait3A_107 = tpu.memref_squeeze %dma_wait3A_106 : memref<1x9216xi32, #tpu.memory_space<hbm>> -> memref<9216xi32, #tpu.memory_space<hbm>>
        %dma_wait3A_108 = arith.constant 0 : i32
        %dma_wait3A_109 = tpu.memref_slice %arg3[%add3A, %dma_wait3A_108] : memref<4x9216xi32, #tpu.memory_space<hbm>> -> memref<1x9216xi32, #tpu.memory_space<hbm>>
        %dma_wait3A_110 = tpu.memref_squeeze %dma_wait3A_109 : memref<1x9216xi32, #tpu.memory_space<hbm>> -> memref<9216xi32, #tpu.memory_space<hbm>>
        tpu.wait_dma2 semaphore(%run_scoped3A : memref<!tpu.dma_semaphore, #tpu.memory_space<semaphore_mem>>) src(%dma_wait3A_110 : memref<9216xi32, #tpu.memory_space<hbm>>) dst(%arg18 : memref<9216xi32, #tpu.memory_space<vmem>>)
        tpu.yield
      }) : () -> ()
      "tpu.region"() ({
        %run_scoped3A = tpu.sem_alloc : memref<!tpu.dma_semaphore, #tpu.memory_space<semaphore_mem>>
        %dma_start3A = arith.constant 0 : i32
        %dma_start3A_101 = tpu.memref_slice %arg4[%add3A, %dma_start3A] : memref<4x9216xf32, #tpu.memory_space<hbm>> -> memref<1x9216xf32, #tpu.memory_space<hbm>>
        %dma_start3A_102 = tpu.memref_squeeze %dma_start3A_101 : memref<1x9216xf32, #tpu.memory_space<hbm>> -> memref<9216xf32, #tpu.memory_space<hbm>>
        %dma_start3A_103 = arith.constant 0 : i32
        %dma_start3A_104 = tpu.memref_slice %arg4[%add3A, %dma_start3A_103] : memref<4x9216xf32, #tpu.memory_space<hbm>> -> memref<1x9216xf32, #tpu.memory_space<hbm>>
        %dma_start3A_105 = tpu.memref_squeeze %dma_start3A_104 : memref<1x9216xf32, #tpu.memory_space<hbm>> -> memref<9216xf32, #tpu.memory_space<hbm>>
        tpu.enqueue_dma source(%dma_start3A_105 : memref<9216xf32, #tpu.memory_space<hbm>>) target(%arg14 : memref<9216xf32, #tpu.memory_space<vmem>>) target_semaphore(%run_scoped3A : memref<!tpu.dma_semaphore, #tpu.memory_space<semaphore_mem>>)
        %dma_wait3A = arith.constant 0 : i32
        %dma_wait3A_106 = tpu.memref_slice %arg4[%add3A, %dma_wait3A] : memref<4x9216xf32, #tpu.memory_space<hbm>> -> memref<1x9216xf32, #tpu.memory_space<hbm>>
        %dma_wait3A_107 = tpu.memref_squeeze %dma_wait3A_106 : memref<1x9216xf32, #tpu.memory_space<hbm>> -> memref<9216xf32, #tpu.memory_space<hbm>>
        %dma_wait3A_108 = arith.constant 0 : i32
        %dma_wait3A_109 = tpu.memref_slice %arg4[%add3A, %dma_wait3A_108] : memref<4x9216xf32, #tpu.memory_space<hbm>> -> memref<1x9216xf32, #tpu.memory_space<hbm>>
        %dma_wait3A_110 = tpu.memref_squeeze %dma_wait3A_109 : memref<1x9216xf32, #tpu.memory_space<hbm>> -> memref<9216xf32, #tpu.memory_space<hbm>>
        tpu.wait_dma2 semaphore(%run_scoped3A : memref<!tpu.dma_semaphore, #tpu.memory_space<semaphore_mem>>) src(%dma_wait3A_110 : memref<9216xf32, #tpu.memory_space<hbm>>) dst(%arg14 : memref<9216xf32, #tpu.memory_space<vmem>>)
        tpu.yield
      }) : () -> ()
      "tpu.region"() ({
        %run_scoped3A = tpu.sem_alloc : memref<!tpu.dma_semaphore, #tpu.memory_space<semaphore_mem>>
        %dma_start3A = arith.constant 0 : i32
        %dma_start3A_101 = tpu.memref_slice %arg5[%add3A, %dma_start3A] : memref<4x9216xf32, #tpu.memory_space<hbm>> -> memref<1x9216xf32, #tpu.memory_space<hbm>>
        %dma_start3A_102 = tpu.memref_squeeze %dma_start3A_101 : memref<1x9216xf32, #tpu.memory_space<hbm>> -> memref<9216xf32, #tpu.memory_space<hbm>>
        %dma_start3A_103 = arith.constant 0 : i32
        %dma_start3A_104 = tpu.memref_slice %arg5[%add3A, %dma_start3A_103] : memref<4x9216xf32, #tpu.memory_space<hbm>> -> memref<1x9216xf32, #tpu.memory_space<hbm>>
        %dma_start3A_105 = tpu.memref_squeeze %dma_start3A_104 : memref<1x9216xf32, #tpu.memory_space<hbm>> -> memref<9216xf32, #tpu.memory_space<hbm>>
        tpu.enqueue_dma source(%dma_start3A_105 : memref<9216xf32, #tpu.memory_space<hbm>>) target(%arg15 : memref<9216xf32, #tpu.memory_space<vmem>>) target_semaphore(%run_scoped3A : memref<!tpu.dma_semaphore, #tpu.memory_space<semaphore_mem>>)
        %dma_wait3A = arith.constant 0 : i32
        %dma_wait3A_106 = tpu.memref_slice %arg5[%add3A, %dma_wait3A] : memref<4x9216xf32, #tpu.memory_space<hbm>> -> memref<1x9216xf32, #tpu.memory_space<hbm>>
        %dma_wait3A_107 = tpu.memref_squeeze %dma_wait3A_106 : memref<1x9216xf32, #tpu.memory_space<hbm>> -> memref<9216xf32, #tpu.memory_space<hbm>>
        %dma_wait3A_108 = arith.constant 0 : i32
        %dma_wait3A_109 = tpu.memref_slice %arg5[%add3A, %dma_wait3A_108] : memref<4x9216xf32, #tpu.memory_space<hbm>> -> memref<1x9216xf32, #tpu.memory_space<hbm>>
        %dma_wait3A_110 = tpu.memref_squeeze %dma_wait3A_109 : memref<1x9216xf32, #tpu.memory_space<hbm>> -> memref<9216xf32, #tpu.memory_space<hbm>>
        tpu.wait_dma2 semaphore(%run_scoped3A : memref<!tpu.dma_semaphore, #tpu.memory_space<semaphore_mem>>) src(%dma_wait3A_110 : memref<9216xf32, #tpu.memory_space<hbm>>) dst(%arg15 : memref<9216xf32, #tpu.memory_space<vmem>>)
        tpu.yield
      }) : () -> ()
      "tpu.region"() ({
        %run_scoped3A = tpu.sem_alloc : memref<!tpu.dma_semaphore, #tpu.memory_space<semaphore_mem>>
        %dma_start3A = arith.constant 0 : i32
        %dma_start3A_101 = tpu.memref_slice %arg6[%add3A, %dma_start3A] : memref<4x9216xf32, #tpu.memory_space<hbm>> -> memref<1x9216xf32, #tpu.memory_space<hbm>>
        %dma_start3A_102 = tpu.memref_squeeze %dma_start3A_101 : memref<1x9216xf32, #tpu.memory_space<hbm>> -> memref<9216xf32, #tpu.memory_space<hbm>>
        %dma_start3A_103 = arith.constant 0 : i32
        %dma_start3A_104 = tpu.memref_slice %arg6[%add3A, %dma_start3A_103] : memref<4x9216xf32, #tpu.memory_space<hbm>> -> memref<1x9216xf32, #tpu.memory_space<hbm>>
        %dma_start3A_105 = tpu.memref_squeeze %dma_start3A_104 : memref<1x9216xf32, #tpu.memory_space<hbm>> -> memref<9216xf32, #tpu.memory_space<hbm>>
        tpu.enqueue_dma source(%dma_start3A_105 : memref<9216xf32, #tpu.memory_space<hbm>>) target(%arg16 : memref<9216xf32, #tpu.memory_space<vmem>>) target_semaphore(%run_scoped3A : memref<!tpu.dma_semaphore, #tpu.memory_space<semaphore_mem>>)
        %dma_wait3A = arith.constant 0 : i32
        %dma_wait3A_106 = tpu.memref_slice %arg6[%add3A, %dma_wait3A] : memref<4x9216xf32, #tpu.memory_space<hbm>> -> memref<1x9216xf32, #tpu.memory_space<hbm>>
        %dma_wait3A_107 = tpu.memref_squeeze %dma_wait3A_106 : memref<1x9216xf32, #tpu.memory_space<hbm>> -> memref<9216xf32, #tpu.memory_space<hbm>>
        %dma_wait3A_108 = arith.constant 0 : i32
        %dma_wait3A_109 = tpu.memref_slice %arg6[%add3A, %dma_wait3A_108] : memref<4x9216xf32, #tpu.memory_space<hbm>> -> memref<1x9216xf32, #tpu.memory_space<hbm>>
        %dma_wait3A_110 = tpu.memref_squeeze %dma_wait3A_109 : memref<1x9216xf32, #tpu.memory_space<hbm>> -> memref<9216xf32, #tpu.memory_space<hbm>>
        tpu.wait_dma2 semaphore(%run_scoped3A : memref<!tpu.dma_semaphore, #tpu.memory_space<semaphore_mem>>) src(%dma_wait3A_110 : memref<9216xf32, #tpu.memory_space<hbm>>) dst(%arg16 : memref<9216xf32, #tpu.memory_space<vmem>>)
        tpu.yield
      }) : () -> ()
      "tpu.region"() ({
        %run_scoped3A = tpu.sem_alloc : memref<!tpu.dma_semaphore, #tpu.memory_space<semaphore_mem>>
        %dma_start3A = arith.constant 0 : i32
        %dma_start3A_101 = tpu.memref_slice %arg7[%add3A, %dma_start3A] : memref<4x9216xf32, #tpu.memory_space<hbm>> -> memref<1x9216xf32, #tpu.memory_space<hbm>>
        %dma_start3A_102 = tpu.memref_squeeze %dma_start3A_101 : memref<1x9216xf32, #tpu.memory_space<hbm>> -> memref<9216xf32, #tpu.memory_space<hbm>>
        %dma_start3A_103 = arith.constant 0 : i32
        %dma_start3A_104 = tpu.memref_slice %arg7[%add3A, %dma_start3A_103] : memref<4x9216xf32, #tpu.memory_space<hbm>> -> memref<1x9216xf32, #tpu.memory_space<hbm>>
        %dma_start3A_105 = tpu.memref_squeeze %dma_start3A_104 : memref<1x9216xf32, #tpu.memory_space<hbm>> -> memref<9216xf32, #tpu.memory_space<hbm>>
        tpu.enqueue_dma source(%dma_start3A_105 : memref<9216xf32, #tpu.memory_space<hbm>>) target(%arg17 : memref<9216xf32, #tpu.memory_space<vmem>>) target_semaphore(%run_scoped3A : memref<!tpu.dma_semaphore, #tpu.memory_space<semaphore_mem>>)
        %dma_wait3A = arith.constant 0 : i32
        %dma_wait3A_106 = tpu.memref_slice %arg7[%add3A, %dma_wait3A] : memref<4x9216xf32, #tpu.memory_space<hbm>> -> memref<1x9216xf32, #tpu.memory_space<hbm>>
        %dma_wait3A_107 = tpu.memref_squeeze %dma_wait3A_106 : memref<1x9216xf32, #tpu.memory_space<hbm>> -> memref<9216xf32, #tpu.memory_space<hbm>>
        %dma_wait3A_108 = arith.constant 0 : i32
        %dma_wait3A_109 = tpu.memref_slice %arg7[%add3A, %dma_wait3A_108] : memref<4x9216xf32, #tpu.memory_space<hbm>> -> memref<1x9216xf32, #tpu.memory_space<hbm>>
        %dma_wait3A_110 = tpu.memref_squeeze %dma_wait3A_109 : memref<1x9216xf32, #tpu.memory_space<hbm>> -> memref<9216xf32, #tpu.memory_space<hbm>>
        tpu.wait_dma2 semaphore(%run_scoped3A : memref<!tpu.dma_semaphore, #tpu.memory_space<semaphore_mem>>) src(%dma_wait3A_110 : memref<9216xf32, #tpu.memory_space<hbm>>) dst(%arg17 : memref<9216xf32, #tpu.memory_space<vmem>>)
        tpu.yield
      }) : () -> ()
      %scan3A = arith.constant 0 : i32
      %scan3A_3 = arith.constant 0 : i32
      %scan3A_4 = arith.constant 576 : i32
      %scan3A_5 = arith.addi %scan3A_3, %scan3A_4 : i32
      %scan3A_6 = arith.constant 1 : i32
      %scan3A_7 = scf.for %scan3A_101 = %scan3A_3 to %scan3A_5 step %scan3A_6 iter_args(%scan3A_102 = %scan3A) -> (i32)  : i32 {
        %mul3A_103 = arith.constant 16 : i32
        %mul3A_104 = arith.muli %scan3A_101, %mul3A_103 : i32
        %get3A = arith.index_cast %mul3A_104 : i32 to index
        %get3A_105 = tpu.vector_load %arg13[%get3A] {strides = array<i32>} : memref<9216xf32, #tpu.memory_space<vmem>>, vector<16xf32>,
        %gt3A = arith.constant -1.000000e+08 : f32
        %gt3A_106 = vector.broadcast %gt3A : f32 to vector<16xf32>
        %gt3A_107 = arith.cmpf ogt, %get3A_105, %gt3A_106 : vector<16xf32>
        %get3A_108 = arith.index_cast %mul3A_104 : i32 to index
        %get3A_109 = tpu.vector_load %arg18[%get3A_108] {strides = array<i32>} : memref<9216xi32, #tpu.memory_space<vmem>>, vector<16xi32>,
        tpu.vector_store_idx %arg19[%get3A_109], %get3A_105 masked %gt3A_107 : memref<6144xf32, #tpu.memory_space<vmem>>[vector<16xi32>], vector<16xf32>, vector<16xi1>
        %get3A_110 = arith.index_cast %mul3A_104 : i32 to index
        %get3A_111 = tpu.vector_load %arg14[%get3A_110] {strides = array<i32>} : memref<9216xf32, #tpu.memory_space<vmem>>, vector<16xf32>,
        tpu.vector_store_idx %arg20[%get3A_109], %get3A_111 masked %gt3A_107 : memref<6144xf32, #tpu.memory_space<vmem>>[vector<16xi32>], vector<16xf32>, vector<16xi1>
        %get3A_112 = arith.index_cast %mul3A_104 : i32 to index
        %get3A_113 = tpu.vector_load %arg15[%get3A_112] {strides = array<i32>} : memref<9216xf32, #tpu.memory_space<vmem>>, vector<16xf32>,
        tpu.vector_store_idx %arg21[%get3A_109], %get3A_113 masked %gt3A_107 : memref<6144xf32, #tpu.memory_space<vmem>>[vector<16xi32>], vector<16xf32>, vector<16xi1>
        %get3A_114 = arith.index_cast %mul3A_104 : i32 to index
        %get3A_115 = tpu.vector_load %arg16[%get3A_114] {strides = array<i32>} : memref<9216xf32, #tpu.memory_space<vmem>>, vector<16xf32>,
        tpu.vector_store_idx %arg22[%get3A_109], %get3A_115 masked %gt3A_107 : memref<6144xf32, #tpu.memory_space<vmem>>[vector<16xi32>], vector<16xf32>, vector<16xi1>
        %get3A_116 = arith.index_cast %mul3A_104 : i32 to index
        %get3A_117 = tpu.vector_load %arg17[%get3A_116] {strides = array<i32>} : memref<9216xf32, #tpu.memory_space<vmem>>, vector<16xf32>,
        tpu.vector_store_idx %arg23[%get3A_109], %get3A_117 masked %gt3A_107 : memref<6144xf32, #tpu.memory_space<vmem>>[vector<16xi32>], vector<16xf32>, vector<16xi1>
        %scan3A_118 = arith.constant 0 : i32
        scf.yield %scan3A_118 : i32
      }
      %scan3A_8 = arith.constant 576 : i32
      %broadcast_in_dim3A = arith.constant -1.000000e+09 : f32
      %broadcast_in_dim3A_9 = vector.broadcast %broadcast_in_dim3A : f32 to vector<16xf32>
      %broadcast_in_dim3A_10 = arith.constant 0.000000e+00 : f32
      %broadcast_in_dim3A_11 = vector.broadcast %broadcast_in_dim3A_10 : f32 to vector<16xf32>
      %swap3A = arith.constant 6000 : index
      %swap3A_12 = tpu.vector_load %arg19[%swap3A] {strides = array<i32>} : memref<6144xf32, #tpu.memory_space<vmem>>, vector<16xf32>,
      tpu.vector_store %arg19[%swap3A], %broadcast_in_dim3A_9 {strides = array<i32>} : memref<6144xf32, #tpu.memory_space<vmem>>, vector<16xf32>,
      %swap3A_13 = arith.constant 6000 : index
      %swap3A_14 = tpu.vector_load %arg20[%swap3A_13] {strides = array<i32>} : memref<6144xf32, #tpu.memory_space<vmem>>, vector<16xf32>,
      tpu.vector_store %arg20[%swap3A_13], %broadcast_in_dim3A_11 {strides = array<i32>} : memref<6144xf32, #tpu.memory_space<vmem>>, vector<16xf32>,
      %swap3A_15 = arith.constant 6000 : index
      %swap3A_16 = tpu.vector_load %arg21[%swap3A_15] {strides = array<i32>} : memref<6144xf32, #tpu.memory_space<vmem>>, vector<16xf32>,
      tpu.vector_store %arg21[%swap3A_15], %broadcast_in_dim3A_11 {strides = array<i32>} : memref<6144xf32, #tpu.memory_space<vmem>>, vector<16xf32>,
      %swap3A_17 = arith.constant 6000 : index
      %swap3A_18 = tpu.vector_load %arg22[%swap3A_17] {strides = array<i32>} : memref<6144xf32, #tpu.memory_space<vmem>>, vector<16xf32>,
      tpu.vector_store %arg22[%swap3A_17], %broadcast_in_dim3A_11 {strides = array<i32>} : memref<6144xf32, #tpu.memory_space<vmem>>, vector<16xf32>,
      %swap3A_19 = arith.constant 6000 : index
      %swap3A_20 = tpu.vector_load %arg23[%swap3A_19] {strides = array<i32>} : memref<6144xf32, #tpu.memory_space<vmem>>, vector<16xf32>,
      tpu.vector_store %arg23[%swap3A_19], %broadcast_in_dim3A_11 {strides = array<i32>} : memref<6144xf32, #tpu.memory_space<vmem>>, vector<16xf32>,
      %swap3A_21 = arith.constant 6016 : index
      %swap3A_22 = tpu.vector_load %arg19[%swap3A_21] {strides = array<i32>} : memref<6144xf32, #tpu.memory_space<vmem>>, vector<16xf32>,
      tpu.vector_store %arg19[%swap3A_21], %broadcast_in_dim3A_9 {strides = array<i32>} : memref<6144xf32, #tpu.memory_space<vmem>>, vector<16xf32>,
      %swap3A_23 = arith.constant 6016 : index
      %swap3A_24 = tpu.vector_load %arg20[%swap3A_23] {strides = array<i32>} : memref<6144xf32, #tpu.memory_space<vmem>>, vector<16xf32>,
      tpu.vector_store %arg20[%swap3A_23], %broadcast_in_dim3A_11 {strides = array<i32>} : memref<6144xf32, #tpu.memory_space<vmem>>, vector<16xf32>,
      %swap3A_25 = arith.constant 6016 : index
      %swap3A_26 = tpu.vector_load %arg21[%swap3A_25] {strides = array<i32>} : memref<6144xf32, #tpu.memory_space<vmem>>, vector<16xf32>,
      tpu.vector_store %arg21[%swap3A_25], %broadcast_in_dim3A_11 {strides = array<i32>} : memref<6144xf32, #tpu.memory_space<vmem>>, vector<16xf32>,
      %swap3A_27 = arith.constant 6016 : index
      %swap3A_28 = tpu.vector_load %arg22[%swap3A_27] {strides = array<i32>} : memref<6144xf32, #tpu.memory_space<vmem>>, vector<16xf32>,
      tpu.vector_store %arg22[%swap3A_27], %broadcast_in_dim3A_11 {strides = array<i32>} : memref<6144xf32, #tpu.memory_space<vmem>>, vector<16xf32>,
      %swap3A_29 = arith.constant 6016 : index
      %swap3A_30 = tpu.vector_load %arg23[%swap3A_29] {strides = array<i32>} : memref<6144xf32, #tpu.memory_space<vmem>>, vector<16xf32>,
      tpu.vector_store %arg23[%swap3A_29], %broadcast_in_dim3A_11 {strides = array<i32>} : memref<6144xf32, #tpu.memory_space<vmem>>, vector<16xf32>,
      %swap3A_31 = arith.constant 6032 : index
      %swap3A_32 = tpu.vector_load %arg19[%swap3A_31] {strides = array<i32>} : memref<6144xf32, #tpu.memory_space<vmem>>, vector<16xf32>,
      tpu.vector_store %arg19[%swap3A_31], %broadcast_in_dim3A_9 {strides = array<i32>} : memref<6144xf32, #tpu.memory_space<vmem>>, vector<16xf32>,
      %swap3A_33 = arith.constant 6032 : index
      %swap3A_34 = tpu.vector_load %arg20[%swap3A_33] {strides = array<i32>} : memref<6144xf32, #tpu.memory_space<vmem>>, vector<16xf32>,
      tpu.vector_store %arg20[%swap3A_33], %broadcast_in_dim3A_11 {strides = array<i32>} : memref<6144xf32, #tpu.memory_space<vmem>>, vector<16xf32>,
      %swap3A_35 = arith.constant 6032 : index
      %swap3A_36 = tpu.vector_load %arg21[%swap3A_35] {strides = array<i32>} : memref<6144xf32, #tpu.memory_space<vmem>>, vector<16xf32>,
      tpu.vector_store %arg21[%swap3A_35], %broadcast_in_dim3A_11 {strides = array<i32>} : memref<6144xf32, #tpu.memory_space<vmem>>, vector<16xf32>,
      %swap3A_37 = arith.constant 6032 : index
      %swap3A_38 = tpu.vector_load %arg22[%swap3A_37] {strides = array<i32>} : memref<6144xf32, #tpu.memory_space<vmem>>, vector<16xf32>,
      tpu.vector_store %arg22[%swap3A_37], %broadcast_in_dim3A_11 {strides = array<i32>} : memref<6144xf32, #tpu.memory_space<vmem>>, vector<16xf32>,
      %swap3A_39 = arith.constant 6032 : index
      %swap3A_40 = tpu.vector_load %arg23[%swap3A_39] {strides = array<i32>} : memref<6144xf32, #tpu.memory_space<vmem>>, vector<16xf32>,
      tpu.vector_store %arg23[%swap3A_39], %broadcast_in_dim3A_11 {strides = array<i32>} : memref<6144xf32, #tpu.memory_space<vmem>>, vector<16xf32>,
      %swap3A_41 = arith.constant 6048 : index
      %swap3A_42 = tpu.vector_load %arg19[%swap3A_41] {strides = array<i32>} : memref<6144xf32, #tpu.memory_space<vmem>>, vector<16xf32>,
      tpu.vector_store %arg19[%swap3A_41], %broadcast_in_dim3A_9 {strides = array<i32>} : memref<6144xf32, #tpu.memory_space<vmem>>, vector<16xf32>,
      %swap3A_43 = arith.constant 6048 : index
      %swap3A_44 = tpu.vector_load %arg20[%swap3A_43] {strides = array<i32>} : memref<6144xf32, #tpu.memory_space<vmem>>, vector<16xf32>,
      tpu.vector_store %arg20[%swap3A_43], %broadcast_in_dim3A_11 {strides = array<i32>} : memref<6144xf32, #tpu.memory_space<vmem>>, vector<16xf32>,
      %swap3A_45 = arith.constant 6048 : index
      %swap3A_46 = tpu.vector_load %arg21[%swap3A_45] {strides = array<i32>} : memref<6144xf32, #tpu.memory_space<vmem>>, vector<16xf32>,
      tpu.vector_store %arg21[%swap3A_45], %broadcast_in_dim3A_11 {strides = array<i32>} : memref<6144xf32, #tpu.memory_space<vmem>>, vector<16xf32>,
      %swap3A_47 = arith.constant 6048 : index
      %swap3A_48 = tpu.vector_load %arg22[%swap3A_47] {strides = array<i32>} : memref<6144xf32, #tpu.memory_space<vmem>>, vector<16xf32>,
      tpu.vector_store %arg22[%swap3A_47], %broadcast_in_dim3A_11 {strides = array<i32>} : memref<6144xf32, #tpu.memory_space<vmem>>, vector<16xf32>,
      %swap3A_49 = arith.constant 6048 : index
      %swap3A_50 = tpu.vector_load %arg23[%swap3A_49] {strides = array<i32>} : memref<6144xf32, #tpu.memory_space<vmem>>, vector<16xf32>,
      tpu.vector_store %arg23[%swap3A_49], %broadcast_in_dim3A_11 {strides = array<i32>} : memref<6144xf32, #tpu.memory_space<vmem>>, vector<16xf32>,
      %swap3A_51 = arith.constant 6064 : index
      %swap3A_52 = tpu.vector_load %arg19[%swap3A_51] {strides = array<i32>} : memref<6144xf32, #tpu.memory_space<vmem>>, vector<16xf32>,
      tpu.vector_store %arg19[%swap3A_51], %broadcast_in_dim3A_9 {strides = array<i32>} : memref<6144xf32, #tpu.memory_space<vmem>>, vector<16xf32>,
      %swap3A_53 = arith.constant 6064 : index
      %swap3A_54 = tpu.vector_load %arg20[%swap3A_53] {strides = array<i32>} : memref<6144xf32, #tpu.memory_space<vmem>>, vector<16xf32>,
      tpu.vector_store %arg20[%swap3A_53], %broadcast_in_dim3A_11 {strides = array<i32>} : memref<6144xf32, #tpu.memory_space<vmem>>, vector<16xf32>,
      %swap3A_55 = arith.constant 6064 : index
      %swap3A_56 = tpu.vector_load %arg21[%swap3A_55] {strides = array<i32>} : memref<6144xf32, #tpu.memory_space<vmem>>, vector<16xf32>,
      tpu.vector_store %arg21[%swap3A_55], %broadcast_in_dim3A_11 {strides = array<i32>} : memref<6144xf32, #tpu.memory_space<vmem>>, vector<16xf32>,
      %swap3A_57 = arith.constant 6064 : index
      %swap3A_58 = tpu.vector_load %arg22[%swap3A_57] {strides = array<i32>} : memref<6144xf32, #tpu.memory_space<vmem>>, vector<16xf32>,
      tpu.vector_store %arg22[%swap3A_57], %broadcast_in_dim3A_11 {strides = array<i32>} : memref<6144xf32, #tpu.memory_space<vmem>>, vector<16xf32>,
      %swap3A_59 = arith.constant 6064 : index
      %swap3A_60 = tpu.vector_load %arg23[%swap3A_59] {strides = array<i32>} : memref<6144xf32, #tpu.memory_space<vmem>>, vector<16xf32>,
      tpu.vector_store %arg23[%swap3A_59], %broadcast_in_dim3A_11 {strides = array<i32>} : memref<6144xf32, #tpu.memory_space<vmem>>, vector<16xf32>,
      %swap3A_61 = arith.constant 6080 : index
      %swap3A_62 = tpu.vector_load %arg19[%swap3A_61] {strides = array<i32>} : memref<6144xf32, #tpu.memory_space<vmem>>, vector<16xf32>,
      tpu.vector_store %arg19[%swap3A_61], %broadcast_in_dim3A_9 {strides = array<i32>} : memref<6144xf32, #tpu.memory_space<vmem>>, vector<16xf32>,
      %swap3A_63 = arith.constant 6080 : index
      %swap3A_64 = tpu.vector_load %arg20[%swap3A_63] {strides = array<i32>} : memref<6144xf32, #tpu.memory_space<vmem>>, vector<16xf32>,
      tpu.vector_store %arg20[%swap3A_63], %broadcast_in_dim3A_11 {strides = array<i32>} : memref<6144xf32, #tpu.memory_space<vmem>>, vector<16xf32>,
      %swap3A_65 = arith.constant 6080 : index
      %swap3A_66 = tpu.vector_load %arg21[%swap3A_65] {strides = array<i32>} : memref<6144xf32, #tpu.memory_space<vmem>>, vector<16xf32>,
      tpu.vector_store %arg21[%swap3A_65], %broadcast_in_dim3A_11 {strides = array<i32>} : memref<6144xf32, #tpu.memory_space<vmem>>, vector<16xf32>,
      %swap3A_67 = arith.constant 6080 : index
      %swap3A_68 = tpu.vector_load %arg22[%swap3A_67] {strides = array<i32>} : memref<6144xf32, #tpu.memory_space<vmem>>, vector<16xf32>,
      tpu.vector_store %arg22[%swap3A_67], %broadcast_in_dim3A_11 {strides = array<i32>} : memref<6144xf32, #tpu.memory_space<vmem>>, vector<16xf32>,
      %swap3A_69 = arith.constant 6080 : index
      %swap3A_70 = tpu.vector_load %arg23[%swap3A_69] {strides = array<i32>} : memref<6144xf32, #tpu.memory_space<vmem>>, vector<16xf32>,
      tpu.vector_store %arg23[%swap3A_69], %broadcast_in_dim3A_11 {strides = array<i32>} : memref<6144xf32, #tpu.memory_space<vmem>>, vector<16xf32>,
      %swap3A_71 = arith.constant 6096 : index
      %swap3A_72 = tpu.vector_load %arg19[%swap3A_71] {strides = array<i32>} : memref<6144xf32, #tpu.memory_space<vmem>>, vector<16xf32>,
      tpu.vector_store %arg19[%swap3A_71], %broadcast_in_dim3A_9 {strides = array<i32>} : memref<6144xf32, #tpu.memory_space<vmem>>, vector<16xf32>,
      %swap3A_73 = arith.constant 6096 : index
      %swap3A_74 = tpu.vector_load %arg20[%swap3A_73] {strides = array<i32>} : memref<6144xf32, #tpu.memory_space<vmem>>, vector<16xf32>,
      tpu.vector_store %arg20[%swap3A_73], %broadcast_in_dim3A_11 {strides = array<i32>} : memref<6144xf32, #tpu.memory_space<vmem>>, vector<16xf32>,
      %swap3A_75 = arith.constant 6096 : index
      %swap3A_76 = tpu.vector_load %arg21[%swap3A_75] {strides = array<i32>} : memref<6144xf32, #tpu.memory_space<vmem>>, vector<16xf32>,
      tpu.vector_store %arg21[%swap3A_75], %broadcast_in_dim3A_11 {strides = array<i32>} : memref<6144xf32, #tpu.memory_space<vmem>>, vector<16xf32>,
      %swap3A_77 = arith.constant 6096 : index
      %swap3A_78 = tpu.vector_load %arg22[%swap3A_77] {strides = array<i32>} : memref<6144xf32, #tpu.memory_space<vmem>>, vector<16xf32>,
      tpu.vector_store %arg22[%swap3A_77], %broadcast_in_dim3A_11 {strides = array<i32>} : memref<6144xf32, #tpu.memory_space<vmem>>, vector<16xf32>,
      %swap3A_79 = arith.constant 6096 : index
      %swap3A_80 = tpu.vector_load %arg23[%swap3A_79] {strides = array<i32>} : memref<6144xf32, #tpu.memory_space<vmem>>, vector<16xf32>,
      tpu.vector_store %arg23[%swap3A_79], %broadcast_in_dim3A_11 {strides = array<i32>} : memref<6144xf32, #tpu.memory_space<vmem>>, vector<16xf32>,
      %swap3A_81 = arith.constant 6112 : index
      %swap3A_82 = tpu.vector_load %arg19[%swap3A_81] {strides = array<i32>} : memref<6144xf32, #tpu.memory_space<vmem>>, vector<16xf32>,
      tpu.vector_store %arg19[%swap3A_81], %broadcast_in_dim3A_9 {strides = array<i32>} : memref<6144xf32, #tpu.memory_space<vmem>>, vector<16xf32>,
      %swap3A_83 = arith.constant 6112 : index
      %swap3A_84 = tpu.vector_load %arg20[%swap3A_83] {strides = array<i32>} : memref<6144xf32, #tpu.memory_space<vmem>>, vector<16xf32>,
      tpu.vector_store %arg20[%swap3A_83], %broadcast_in_dim3A_11 {strides = array<i32>} : memref<6144xf32, #tpu.memory_space<vmem>>, vector<16xf32>,
      %swap3A_85 = arith.constant 6112 : index
      %swap3A_86 = tpu.vector_load %arg21[%swap3A_85] {strides = array<i32>} : memref<6144xf32, #tpu.memory_space<vmem>>, vector<16xf32>,
      tpu.vector_store %arg21[%swap3A_85], %broadcast_in_dim3A_11 {strides = array<i32>} : memref<6144xf32, #tpu.memory_space<vmem>>, vector<16xf32>,
      %swap3A_87 = arith.constant 6112 : index
      %swap3A_88 = tpu.vector_load %arg22[%swap3A_87] {strides = array<i32>} : memref<6144xf32, #tpu.memory_space<vmem>>, vector<16xf32>,
      tpu.vector_store %arg22[%swap3A_87], %broadcast_in_dim3A_11 {strides = array<i32>} : memref<6144xf32, #tpu.memory_space<vmem>>, vector<16xf32>,
      %swap3A_89 = arith.constant 6112 : index
      %swap3A_90 = tpu.vector_load %arg23[%swap3A_89] {strides = array<i32>} : memref<6144xf32, #tpu.memory_space<vmem>>, vector<16xf32>,
      tpu.vector_store %arg23[%swap3A_89], %broadcast_in_dim3A_11 {strides = array<i32>} : memref<6144xf32, #tpu.memory_space<vmem>>, vector<16xf32>,
      %swap3A_91 = arith.constant 6128 : index
      %swap3A_92 = tpu.vector_load %arg19[%swap3A_91] {strides = array<i32>} : memref<6144xf32, #tpu.memory_space<vmem>>, vector<16xf32>,
      tpu.vector_store %arg19[%swap3A_91], %broadcast_in_dim3A_9 {strides = array<i32>} : memref<6144xf32, #tpu.memory_space<vmem>>, vector<16xf32>,
      %swap3A_93 = arith.constant 6128 : index
      %swap3A_94 = tpu.vector_load %arg20[%swap3A_93] {strides = array<i32>} : memref<6144xf32, #tpu.memory_space<vmem>>, vector<16xf32>,
      tpu.vector_store %arg20[%swap3A_93], %broadcast_in_dim3A_11 {strides = array<i32>} : memref<6144xf32, #tpu.memory_space<vmem>>, vector<16xf32>,
      %swap3A_95 = arith.constant 6128 : index
      %swap3A_96 = tpu.vector_load %arg21[%swap3A_95] {strides = array<i32>} : memref<6144xf32, #tpu.memory_space<vmem>>, vector<16xf32>,
      tpu.vector_store %arg21[%swap3A_95], %broadcast_in_dim3A_11 {strides = array<i32>} : memref<6144xf32, #tpu.memory_space<vmem>>, vector<16xf32>,
      %swap3A_97 = arith.constant 6128 : index
      %swap3A_98 = tpu.vector_load %arg22[%swap3A_97] {strides = array<i32>} : memref<6144xf32, #tpu.memory_space<vmem>>, vector<16xf32>,
      tpu.vector_store %arg22[%swap3A_97], %broadcast_in_dim3A_11 {strides = array<i32>} : memref<6144xf32, #tpu.memory_space<vmem>>, vector<16xf32>,
      %swap3A_99 = arith.constant 6128 : index
      %swap3A_100 = tpu.vector_load %arg23[%swap3A_99] {strides = array<i32>} : memref<6144xf32, #tpu.memory_space<vmem>>, vector<16xf32>,
      tpu.vector_store %arg23[%swap3A_99], %broadcast_in_dim3A_11 {strides = array<i32>} : memref<6144xf32, #tpu.memory_space<vmem>>, vector<16xf32>,
      "tpu.region"() ({
        %run_scoped3A = tpu.sem_alloc : memref<!tpu.dma_semaphore, #tpu.memory_space<semaphore_mem>>
        %dma_start3A = arith.constant 0 : i32
        %dma_start3A_101 = tpu.memref_slice %arg8[%add3A, %dma_start3A] : memref<4x6144xf32, #tpu.memory_space<hbm>> -> memref<1x6144xf32, #tpu.memory_space<hbm>>
        %dma_start3A_102 = tpu.memref_squeeze %dma_start3A_101 : memref<1x6144xf32, #tpu.memory_space<hbm>> -> memref<6144xf32, #tpu.memory_space<hbm>>
        %dma_start3A_103 = arith.constant 0 : i32
        %dma_start3A_104 = tpu.memref_slice %arg8[%add3A, %dma_start3A_103] : memref<4x6144xf32, #tpu.memory_space<hbm>> -> memref<1x6144xf32, #tpu.memory_space<hbm>>
        %dma_start3A_105 = tpu.memref_squeeze %dma_start3A_104 : memref<1x6144xf32, #tpu.memory_space<hbm>> -> memref<6144xf32, #tpu.memory_space<hbm>>
        tpu.enqueue_dma source(%arg19 : memref<6144xf32, #tpu.memory_space<vmem>>) target(%dma_start3A_105 : memref<6144xf32, #tpu.memory_space<hbm>>) target_semaphore(%run_scoped3A : memref<!tpu.dma_semaphore, #tpu.memory_space<semaphore_mem>>)
        %dma_wait3A = arith.constant 0 : i32
        %dma_wait3A_106 = tpu.memref_slice %arg8[%add3A, %dma_wait3A] : memref<4x6144xf32, #tpu.memory_space<hbm>> -> memref<1x6144xf32, #tpu.memory_space<hbm>>
        %dma_wait3A_107 = tpu.memref_squeeze %dma_wait3A_106 : memref<1x6144xf32, #tpu.memory_space<hbm>> -> memref<6144xf32, #tpu.memory_space<hbm>>
        %dma_wait3A_108 = arith.constant 0 : i32
        %dma_wait3A_109 = tpu.memref_slice %arg8[%add3A, %dma_wait3A_108] : memref<4x6144xf32, #tpu.memory_space<hbm>> -> memref<1x6144xf32, #tpu.memory_space<hbm>>
        %dma_wait3A_110 = tpu.memref_squeeze %dma_wait3A_109 : memref<1x6144xf32, #tpu.memory_space<hbm>> -> memref<6144xf32, #tpu.memory_space<hbm>>
        tpu.wait_dma2 semaphore(%run_scoped3A : memref<!tpu.dma_semaphore, #tpu.memory_space<semaphore_mem>>) src(%arg19 : memref<6144xf32, #tpu.memory_space<vmem>>) dst(%dma_wait3A_110 : memref<6144xf32, #tpu.memory_space<hbm>>)
        tpu.yield
      }) : () -> ()
      "tpu.region"() ({
        %run_scoped3A = tpu.sem_alloc : memref<!tpu.dma_semaphore, #tpu.memory_space<semaphore_mem>>
        %dma_start3A = arith.constant 0 : i32
        %dma_start3A_101 = tpu.memref_slice %arg9[%add3A, %dma_start3A] : memref<4x6144xf32, #tpu.memory_space<hbm>> -> memref<1x6144xf32, #tpu.memory_space<hbm>>
        %dma_start3A_102 = tpu.memref_squeeze %dma_start3A_101 : memref<1x6144xf32, #tpu.memory_space<hbm>> -> memref<6144xf32, #tpu.memory_space<hbm>>
        %dma_start3A_103 = arith.constant 0 : i32
        %dma_start3A_104 = tpu.memref_slice %arg9[%add3A, %dma_start3A_103] : memref<4x6144xf32, #tpu.memory_space<hbm>> -> memref<1x6144xf32, #tpu.memory_space<hbm>>
        %dma_start3A_105 = tpu.memref_squeeze %dma_start3A_104 : memref<1x6144xf32, #tpu.memory_space<hbm>> -> memref<6144xf32, #tpu.memory_space<hbm>>
        tpu.enqueue_dma source(%arg20 : memref<6144xf32, #tpu.memory_space<vmem>>) target(%dma_start3A_105 : memref<6144xf32, #tpu.memory_space<hbm>>) target_semaphore(%run_scoped3A : memref<!tpu.dma_semaphore, #tpu.memory_space<semaphore_mem>>)
        %dma_wait3A = arith.constant 0 : i32
        %dma_wait3A_106 = tpu.memref_slice %arg9[%add3A, %dma_wait3A] : memref<4x6144xf32, #tpu.memory_space<hbm>> -> memref<1x6144xf32, #tpu.memory_space<hbm>>
        %dma_wait3A_107 = tpu.memref_squeeze %dma_wait3A_106 : memref<1x6144xf32, #tpu.memory_space<hbm>> -> memref<6144xf32, #tpu.memory_space<hbm>>
        %dma_wait3A_108 = arith.constant 0 : i32
        %dma_wait3A_109 = tpu.memref_slice %arg9[%add3A, %dma_wait3A_108] : memref<4x6144xf32, #tpu.memory_space<hbm>> -> memref<1x6144xf32, #tpu.memory_space<hbm>>
        %dma_wait3A_110 = tpu.memref_squeeze %dma_wait3A_109 : memref<1x6144xf32, #tpu.memory_space<hbm>> -> memref<6144xf32, #tpu.memory_space<hbm>>
        tpu.wait_dma2 semaphore(%run_scoped3A : memref<!tpu.dma_semaphore, #tpu.memory_space<semaphore_mem>>) src(%arg20 : memref<6144xf32, #tpu.memory_space<vmem>>) dst(%dma_wait3A_110 : memref<6144xf32, #tpu.memory_space<hbm>>)
        tpu.yield
      }) : () -> ()
      "tpu.region"() ({
        %run_scoped3A = tpu.sem_alloc : memref<!tpu.dma_semaphore, #tpu.memory_space<semaphore_mem>>
        %dma_start3A = arith.constant 0 : i32
        %dma_start3A_101 = tpu.memref_slice %arg10[%add3A, %dma_start3A] : memref<4x6144xf32, #tpu.memory_space<hbm>> -> memref<1x6144xf32, #tpu.memory_space<hbm>>
        %dma_start3A_102 = tpu.memref_squeeze %dma_start3A_101 : memref<1x6144xf32, #tpu.memory_space<hbm>> -> memref<6144xf32, #tpu.memory_space<hbm>>
        %dma_start3A_103 = arith.constant 0 : i32
        %dma_start3A_104 = tpu.memref_slice %arg10[%add3A, %dma_start3A_103] : memref<4x6144xf32, #tpu.memory_space<hbm>> -> memref<1x6144xf32, #tpu.memory_space<hbm>>
        %dma_start3A_105 = tpu.memref_squeeze %dma_start3A_104 : memref<1x6144xf32, #tpu.memory_space<hbm>> -> memref<6144xf32, #tpu.memory_space<hbm>>
        tpu.enqueue_dma source(%arg21 : memref<6144xf32, #tpu.memory_space<vmem>>) target(%dma_start3A_105 : memref<6144xf32, #tpu.memory_space<hbm>>) target_semaphore(%run_scoped3A : memref<!tpu.dma_semaphore, #tpu.memory_space<semaphore_mem>>)
        %dma_wait3A = arith.constant 0 : i32
        %dma_wait3A_106 = tpu.memref_slice %arg10[%add3A, %dma_wait3A] : memref<4x6144xf32, #tpu.memory_space<hbm>> -> memref<1x6144xf32, #tpu.memory_space<hbm>>
        %dma_wait3A_107 = tpu.memref_squeeze %dma_wait3A_106 : memref<1x6144xf32, #tpu.memory_space<hbm>> -> memref<6144xf32, #tpu.memory_space<hbm>>
        %dma_wait3A_108 = arith.constant 0 : i32
        %dma_wait3A_109 = tpu.memref_slice %arg10[%add3A, %dma_wait3A_108] : memref<4x6144xf32, #tpu.memory_space<hbm>> -> memref<1x6144xf32, #tpu.memory_space<hbm>>
        %dma_wait3A_110 = tpu.memref_squeeze %dma_wait3A_109 : memref<1x6144xf32, #tpu.memory_space<hbm>> -> memref<6144xf32, #tpu.memory_space<hbm>>
        tpu.wait_dma2 semaphore(%run_scoped3A : memref<!tpu.dma_semaphore, #tpu.memory_space<semaphore_mem>>) src(%arg21 : memref<6144xf32, #tpu.memory_space<vmem>>) dst(%dma_wait3A_110 : memref<6144xf32, #tpu.memory_space<hbm>>)
        tpu.yield
      }) : () -> ()
      "tpu.region"() ({
        %run_scoped3A = tpu.sem_alloc : memref<!tpu.dma_semaphore, #tpu.memory_space<semaphore_mem>>
        %dma_start3A = arith.constant 0 : i32
        %dma_start3A_101 = tpu.memref_slice %arg11[%add3A, %dma_start3A] : memref<4x6144xf32, #tpu.memory_space<hbm>> -> memref<1x6144xf32, #tpu.memory_space<hbm>>
        %dma_start3A_102 = tpu.memref_squeeze %dma_start3A_101 : memref<1x6144xf32, #tpu.memory_space<hbm>> -> memref<6144xf32, #tpu.memory_space<hbm>>
        %dma_start3A_103 = arith.constant 0 : i32
        %dma_start3A_104 = tpu.memref_slice %arg11[%add3A, %dma_start3A_103] : memref<4x6144xf32, #tpu.memory_space<hbm>> -> memref<1x6144xf32, #tpu.memory_space<hbm>>
        %dma_start3A_105 = tpu.memref_squeeze %dma_start3A_104 : memref<1x6144xf32, #tpu.memory_space<hbm>> -> memref<6144xf32, #tpu.memory_space<hbm>>
        tpu.enqueue_dma source(%arg22 : memref<6144xf32, #tpu.memory_space<vmem>>) target(%dma_start3A_105 : memref<6144xf32, #tpu.memory_space<hbm>>) target_semaphore(%run_scoped3A : memref<!tpu.dma_semaphore, #tpu.memory_space<semaphore_mem>>)
        %dma_wait3A = arith.constant 0 : i32
        %dma_wait3A_106 = tpu.memref_slice %arg11[%add3A, %dma_wait3A] : memref<4x6144xf32, #tpu.memory_space<hbm>> -> memref<1x6144xf32, #tpu.memory_space<hbm>>
        %dma_wait3A_107 = tpu.memref_squeeze %dma_wait3A_106 : memref<1x6144xf32, #tpu.memory_space<hbm>> -> memref<6144xf32, #tpu.memory_space<hbm>>
        %dma_wait3A_108 = arith.constant 0 : i32
        %dma_wait3A_109 = tpu.memref_slice %arg11[%add3A, %dma_wait3A_108] : memref<4x6144xf32, #tpu.memory_space<hbm>> -> memref<1x6144xf32, #tpu.memory_space<hbm>>
        %dma_wait3A_110 = tpu.memref_squeeze %dma_wait3A_109 : memref<1x6144xf32, #tpu.memory_space<hbm>> -> memref<6144xf32, #tpu.memory_space<hbm>>
        tpu.wait_dma2 semaphore(%run_scoped3A : memref<!tpu.dma_semaphore, #tpu.memory_space<semaphore_mem>>) src(%arg22 : memref<6144xf32, #tpu.memory_space<vmem>>) dst(%dma_wait3A_110 : memref<6144xf32, #tpu.memory_space<hbm>>)
        tpu.yield
      }) : () -> ()
      "tpu.region"() ({
        %run_scoped3A = tpu.sem_alloc : memref<!tpu.dma_semaphore, #tpu.memory_space<semaphore_mem>>
        %dma_start3A = arith.constant 0 : i32
        %dma_start3A_101 = tpu.memref_slice %arg12[%add3A, %dma_start3A] : memref<4x6144xf32, #tpu.memory_space<hbm>> -> memref<1x6144xf32, #tpu.memory_space<hbm>>
        %dma_start3A_102 = tpu.memref_squeeze %dma_start3A_101 : memref<1x6144xf32, #tpu.memory_space<hbm>> -> memref<6144xf32, #tpu.memory_space<hbm>>
        %dma_start3A_103 = arith.constant 0 : i32
        %dma_start3A_104 = tpu.memref_slice %arg12[%add3A, %dma_start3A_103] : memref<4x6144xf32, #tpu.memory_space<hbm>> -> memref<1x6144xf32, #tpu.memory_space<hbm>>
        %dma_start3A_105 = tpu.memref_squeeze %dma_start3A_104 : memref<1x6144xf32, #tpu.memory_space<hbm>> -> memref<6144xf32, #tpu.memory_space<hbm>>
        tpu.enqueue_dma source(%arg23 : memref<6144xf32, #tpu.memory_space<vmem>>) target(%dma_start3A_105 : memref<6144xf32, #tpu.memory_space<hbm>>) target_semaphore(%run_scoped3A : memref<!tpu.dma_semaphore, #tpu.memory_space<semaphore_mem>>)
        %dma_wait3A = arith.constant 0 : i32
        %dma_wait3A_106 = tpu.memref_slice %arg12[%add3A, %dma_wait3A] : memref<4x6144xf32, #tpu.memory_space<hbm>> -> memref<1x6144xf32, #tpu.memory_space<hbm>>
        %dma_wait3A_107 = tpu.memref_squeeze %dma_wait3A_106 : memref<1x6144xf32, #tpu.memory_space<hbm>> -> memref<6144xf32, #tpu.memory_space<hbm>>
        %dma_wait3A_108 = arith.constant 0 : i32
        %dma_wait3A_109 = tpu.memref_slice %arg12[%add3A, %dma_wait3A_108] : memref<4x6144xf32, #tpu.memory_space<hbm>> -> memref<1x6144xf32, #tpu.memory_space<hbm>>
        %dma_wait3A_110 = tpu.memref_squeeze %dma_wait3A_109 : memref<1x6144xf32, #tpu.memory_space<hbm>> -> memref<6144xf32, #tpu.memory_space<hbm>>
        tpu.wait_dma2 semaphore(%run_scoped3A : memref<!tpu.dma_semaphore, #tpu.memory_space<semaphore_mem>>) src(%arg23 : memref<6144xf32, #tpu.memory_space<vmem>>) dst(%dma_wait3A_110 : memref<6144xf32, #tpu.memory_space<hbm>>)
        tpu.yield
      }) : () -> ()
    } else {
    }
    return
  }
}

module attributes {stable_mosaic.version = 14 : i64} {
  func.func @_prep_body(%arg0: memref<4x72x128xf32, #tpu.memory_space<vmem>>, %arg1: memref<4x72x128xf32, #tpu.memory_space<vmem>>, %arg2: memref<4x72x128xf32, #tpu.memory_space<vmem>>, %arg3: memref<4x72x128xf32, #tpu.memory_space<vmem>>, %arg4: memref<4x72x128xf32, #tpu.memory_space<vmem>>, %arg5: memref<4x72x128xf32, #tpu.memory_space<vmem>>, %arg6: memref<4x72x128xi32, #tpu.memory_space<vmem>>, %arg7: memref<4x72x128xf32, #tpu.memory_space<vmem>>, %arg8: memref<4x72x128xf32, #tpu.memory_space<vmem>>, %arg9: memref<4x72x128xf32, #tpu.memory_space<vmem>>, %arg10: memref<4x72x128xf32, #tpu.memory_space<vmem>>) attributes {dimension_semantics = [], scalar_prefetch = 0 : i64, scratch_operands = 0 : i64, tpu.core_type = #tpu.core_type<tc>} {
    %get3A = arith.constant 0 : index
    %get3A_0 = arith.constant 0 : index
    %get3A_1 = arith.constant 0 : index
    %get3A_2 = vector.load %arg0[%get3A, %get3A_0, %get3A_1] : memref<4x72x128xf32, #tpu.memory_space<vmem>>, vector<4x72x128xf32>
    %iota3A = tpu.iota {dimensions = array<i32: 0>} : vector<72x128xi32>
    %mul3A = arith.constant 128 : i32
    %mul3A_3 = vector.broadcast %mul3A : i32 to vector<72x128xi32>
    %mul3A_4 = arith.muli %iota3A, %mul3A_3 : vector<72x128xi32>
    %iota3A_5 = tpu.iota {dimensions = array<i32: 1>} : vector<72x128xi32>
    %add3A = arith.addi %mul3A_4, %iota3A_5 : vector<72x128xi32>
    %shift_right_arithmetic3A = arith.constant 10 : i32
    %shift_right_arithmetic3A_6 = vector.broadcast %shift_right_arithmetic3A : i32 to vector<72x128xi32>
    %shift_right_arithmetic3A_7 = arith.shrsi %add3A, %shift_right_arithmetic3A_6 : vector<72x128xi32>
    %and3A = arith.constant 1023 : i32
    %and3A_8 = vector.broadcast %and3A : i32 to vector<72x128xi32>
    %and3A_9 = arith.andi %add3A, %and3A_8 : vector<72x128xi32>
    %shift_right_arithmetic3A_10 = arith.constant 5 : i32
    %shift_right_arithmetic3A_11 = vector.broadcast %shift_right_arithmetic3A_10 : i32 to vector<72x128xi32>
    %shift_right_arithmetic3A_12 = arith.shrsi %and3A_9, %shift_right_arithmetic3A_11 : vector<72x128xi32>
    %convert_element_type3A = arith.sitofp %shift_right_arithmetic3A_12 : vector<72x128xi32> to vector<72x128xf32>
    %and3A_13 = arith.constant 31 : i32
    %and3A_14 = vector.broadcast %and3A_13 : i32 to vector<72x128xi32>
    %and3A_15 = arith.andi %and3A_9, %and3A_14 : vector<72x128xi32>
    %convert_element_type3A_16 = arith.sitofp %and3A_15 : vector<72x128xi32> to vector<72x128xf32>
    %broadcast_in_dim3A = arith.constant 0.000000e+00 : f32
    %broadcast_in_dim3A_17 = vector.broadcast %broadcast_in_dim3A : f32 to vector<72x128xf32>
    %broadcast_in_dim3A_18 = arith.constant 0.000000e+00 : f32
    %broadcast_in_dim3A_19 = vector.broadcast %broadcast_in_dim3A_18 : f32 to vector<72x128xf32>
    %eq3A = arith.constant 0 : i32
    %eq3A_20 = vector.broadcast %eq3A : i32 to vector<72x128xi32>
    %eq3A_21 = arith.cmpi eq, %shift_right_arithmetic3A_7, %eq3A_20 : vector<72x128xi32>
    %jit3A = arith.constant 45.2548332 : f32
    %broadcast_in_dim3A_22 = vector.broadcast %jit3A : f32 to vector<72x128xf32>
    %select_n3A = arith.select %eq3A_21, %broadcast_in_dim3A_22, %broadcast_in_dim3A_17 : vector<72x128xi1>, vector<72x128xf32>
    %jit3A_23 = arith.constant 90.5096664 : f32
    %broadcast_in_dim3A_24 = vector.broadcast %jit3A_23 : f32 to vector<72x128xf32>
    %select_n3A_25 = arith.select %eq3A_21, %broadcast_in_dim3A_24, %broadcast_in_dim3A_19 : vector<72x128xi1>, vector<72x128xf32>
    %eq3A_26 = arith.constant 1 : i32
    %eq3A_27 = vector.broadcast %eq3A_26 : i32 to vector<72x128xi32>
    %eq3A_28 = arith.cmpi eq, %shift_right_arithmetic3A_7, %eq3A_27 : vector<72x128xi32>
    %jit3A_29 = arith.constant 6.400000e+01 : f32
    %broadcast_in_dim3A_30 = vector.broadcast %jit3A_29 : f32 to vector<72x128xf32>
    %select_n3A_31 = arith.select %eq3A_28, %broadcast_in_dim3A_30, %select_n3A : vector<72x128xi1>, vector<72x128xf32>
    %jit3A_32 = arith.constant 6.400000e+01 : f32
    %broadcast_in_dim3A_33 = vector.broadcast %jit3A_32 : f32 to vector<72x128xf32>
    %select_n3A_34 = arith.select %eq3A_28, %broadcast_in_dim3A_33, %select_n3A_25 : vector<72x128xi1>, vector<72x128xf32>
    %eq3A_35 = arith.constant 2 : i32
    %eq3A_36 = vector.broadcast %eq3A_35 : i32 to vector<72x128xi32>
    %eq3A_37 = arith.cmpi eq, %shift_right_arithmetic3A_7, %eq3A_36 : vector<72x128xi32>
    %jit3A_38 = arith.constant 90.5096664 : f32
    %broadcast_in_dim3A_39 = vector.broadcast %jit3A_38 : f32 to vector<72x128xf32>
    %select_n3A_40 = arith.select %eq3A_37, %broadcast_in_dim3A_39, %select_n3A_31 : vector<72x128xi1>, vector<72x128xf32>
    %jit3A_41 = arith.constant 45.2548332 : f32
    %broadcast_in_dim3A_42 = vector.broadcast %jit3A_41 : f32 to vector<72x128xf32>
    %select_n3A_43 = arith.select %eq3A_37, %broadcast_in_dim3A_42, %select_n3A_34 : vector<72x128xi1>, vector<72x128xf32>
    %eq3A_44 = arith.constant 3 : i32
    %eq3A_45 = vector.broadcast %eq3A_44 : i32 to vector<72x128xi32>
    %eq3A_46 = arith.cmpi eq, %shift_right_arithmetic3A_7, %eq3A_45 : vector<72x128xi32>
    %jit3A_47 = arith.constant 90.5096664 : f32
    %broadcast_in_dim3A_48 = vector.broadcast %jit3A_47 : f32 to vector<72x128xf32>
    %select_n3A_49 = arith.select %eq3A_46, %broadcast_in_dim3A_48, %select_n3A_40 : vector<72x128xi1>, vector<72x128xf32>
    %jit3A_50 = arith.constant 181.019333 : f32
    %broadcast_in_dim3A_51 = vector.broadcast %jit3A_50 : f32 to vector<72x128xf32>
    %select_n3A_52 = arith.select %eq3A_46, %broadcast_in_dim3A_51, %select_n3A_43 : vector<72x128xi1>, vector<72x128xf32>
    %eq3A_53 = arith.constant 4 : i32
    %eq3A_54 = vector.broadcast %eq3A_53 : i32 to vector<72x128xi32>
    %eq3A_55 = arith.cmpi eq, %shift_right_arithmetic3A_7, %eq3A_54 : vector<72x128xi32>
    %jit3A_56 = arith.constant 1.280000e+02 : f32
    %broadcast_in_dim3A_57 = vector.broadcast %jit3A_56 : f32 to vector<72x128xf32>
    %select_n3A_58 = arith.select %eq3A_55, %broadcast_in_dim3A_57, %select_n3A_49 : vector<72x128xi1>, vector<72x128xf32>
    %jit3A_59 = arith.constant 1.280000e+02 : f32
    %broadcast_in_dim3A_60 = vector.broadcast %jit3A_59 : f32 to vector<72x128xf32>
    %select_n3A_61 = arith.select %eq3A_55, %broadcast_in_dim3A_60, %select_n3A_52 : vector<72x128xi1>, vector<72x128xf32>
    %eq3A_62 = arith.constant 5 : i32
    %eq3A_63 = vector.broadcast %eq3A_62 : i32 to vector<72x128xi32>
    %eq3A_64 = arith.cmpi eq, %shift_right_arithmetic3A_7, %eq3A_63 : vector<72x128xi32>
    %jit3A_65 = arith.constant 181.019333 : f32
    %broadcast_in_dim3A_66 = vector.broadcast %jit3A_65 : f32 to vector<72x128xf32>
    %select_n3A_67 = arith.select %eq3A_64, %broadcast_in_dim3A_66, %select_n3A_58 : vector<72x128xi1>, vector<72x128xf32>
    %jit3A_68 = arith.constant 90.5096664 : f32
    %broadcast_in_dim3A_69 = vector.broadcast %jit3A_68 : f32 to vector<72x128xf32>
    %select_n3A_70 = arith.select %eq3A_64, %broadcast_in_dim3A_69, %select_n3A_61 : vector<72x128xi1>, vector<72x128xf32>
    %eq3A_71 = arith.constant 6 : i32
    %eq3A_72 = vector.broadcast %eq3A_71 : i32 to vector<72x128xi32>
    %eq3A_73 = arith.cmpi eq, %shift_right_arithmetic3A_7, %eq3A_72 : vector<72x128xi32>
    %jit3A_74 = arith.constant 181.019333 : f32
    %broadcast_in_dim3A_75 = vector.broadcast %jit3A_74 : f32 to vector<72x128xf32>
    %select_n3A_76 = arith.select %eq3A_73, %broadcast_in_dim3A_75, %select_n3A_67 : vector<72x128xi1>, vector<72x128xf32>
    %jit3A_77 = arith.constant 362.038666 : f32
    %broadcast_in_dim3A_78 = vector.broadcast %jit3A_77 : f32 to vector<72x128xf32>
    %select_n3A_79 = arith.select %eq3A_73, %broadcast_in_dim3A_78, %select_n3A_70 : vector<72x128xi1>, vector<72x128xf32>
    %eq3A_80 = arith.constant 7 : i32
    %eq3A_81 = vector.broadcast %eq3A_80 : i32 to vector<72x128xi32>
    %eq3A_82 = arith.cmpi eq, %shift_right_arithmetic3A_7, %eq3A_81 : vector<72x128xi32>
    %jit3A_83 = arith.constant 2.560000e+02 : f32
    %broadcast_in_dim3A_84 = vector.broadcast %jit3A_83 : f32 to vector<72x128xf32>
    %select_n3A_85 = arith.select %eq3A_82, %broadcast_in_dim3A_84, %select_n3A_76 : vector<72x128xi1>, vector<72x128xf32>
    %jit3A_86 = arith.constant 2.560000e+02 : f32
    %broadcast_in_dim3A_87 = vector.broadcast %jit3A_86 : f32 to vector<72x128xf32>
    %select_n3A_88 = arith.select %eq3A_82, %broadcast_in_dim3A_87, %select_n3A_79 : vector<72x128xi1>, vector<72x128xf32>
    %eq3A_89 = arith.constant 8 : i32
    %eq3A_90 = vector.broadcast %eq3A_89 : i32 to vector<72x128xi32>
    %eq3A_91 = arith.cmpi eq, %shift_right_arithmetic3A_7, %eq3A_90 : vector<72x128xi32>
    %jit3A_92 = arith.constant 362.038666 : f32
    %broadcast_in_dim3A_93 = vector.broadcast %jit3A_92 : f32 to vector<72x128xf32>
    %select_n3A_94 = arith.select %eq3A_91, %broadcast_in_dim3A_93, %select_n3A_85 : vector<72x128xi1>, vector<72x128xf32>
    %jit3A_95 = arith.constant 181.019333 : f32
    %broadcast_in_dim3A_96 = vector.broadcast %jit3A_95 : f32 to vector<72x128xf32>
    %select_n3A_97 = arith.select %eq3A_91, %broadcast_in_dim3A_96, %select_n3A_88 : vector<72x128xi1>, vector<72x128xf32>
    %add3A_98 = arith.constant 5.000000e-01 : f32
    %add3A_99 = vector.broadcast %add3A_98 : f32 to vector<72x128xf32>
    %add3A_100 = arith.addf %convert_element_type3A_16, %add3A_99 : vector<72x128xf32>
    %mul3A_101 = arith.constant 1.600000e+01 : f32
    %mul3A_102 = vector.broadcast %mul3A_101 : f32 to vector<72x128xf32>
    %mul3A_103 = arith.mulf %add3A_100, %mul3A_102 : vector<72x128xf32>
    %add3A_104 = arith.constant 5.000000e-01 : f32
    %add3A_105 = vector.broadcast %add3A_104 : f32 to vector<72x128xf32>
    %add3A_106 = arith.addf %convert_element_type3A, %add3A_105 : vector<72x128xf32>
    %mul3A_107 = arith.constant 1.600000e+01 : f32
    %mul3A_108 = vector.broadcast %mul3A_107 : f32 to vector<72x128xf32>
    %mul3A_109 = arith.mulf %add3A_106, %mul3A_108 : vector<72x128xf32>
    %div3A = arith.constant 2.000000e+00 : f32
    %div3A_110 = vector.broadcast %div3A : f32 to vector<72x128xf32>
    %div3A_111 = arith.divf %select_n3A_94, %div3A_110 : vector<72x128xf32>
    %sub3A = arith.subf %mul3A_103, %div3A_111 : vector<72x128xf32>
    %div3A_112 = arith.constant 2.000000e+00 : f32
    %div3A_113 = vector.broadcast %div3A_112 : f32 to vector<72x128xf32>
    %div3A_114 = arith.divf %select_n3A_97, %div3A_113 : vector<72x128xf32>
    %sub3A_115 = arith.subf %mul3A_109, %div3A_114 : vector<72x128xf32>
    %mul3A_116 = arith.constant 5.000000e-01 : f32
    %mul3A_117 = vector.broadcast %mul3A_116 : f32 to vector<72x128xf32>
    %mul3A_118 = arith.mulf %mul3A_117, %select_n3A_94 : vector<72x128xf32>
    %add3A_119 = arith.addf %sub3A, %mul3A_118 : vector<72x128xf32>
    %mul3A_120 = arith.constant 5.000000e-01 : f32
    %mul3A_121 = vector.broadcast %mul3A_120 : f32 to vector<72x128xf32>
    %mul3A_122 = arith.mulf %mul3A_121, %select_n3A_97 : vector<72x128xf32>
    %add3A_123 = arith.addf %sub3A_115, %mul3A_122 : vector<72x128xf32>
    %get3A_124 = arith.constant 0 : index
    %get3A_125 = arith.constant 0 : index
    %get3A_126 = arith.constant 0 : index
    %get3A_127 = vector.load %arg1[%get3A_124, %get3A_125, %get3A_126] : memref<4x72x128xf32, #tpu.memory_space<vmem>>, vector<4x72x128xf32>
    %broadcast_in_dim3A_128 = vector.shape_cast %select_n3A_94 : vector<72x128xf32> to vector<1x72x128xf32>
    %mul3A_129 = vector.broadcast %broadcast_in_dim3A_128 : vector<1x72x128xf32> to vector<4x72x128xf32>
    %mul3A_130 = arith.mulf %get3A_127, %mul3A_129 : vector<4x72x128xf32>
    %broadcast_in_dim3A_131 = vector.shape_cast %add3A_119 : vector<72x128xf32> to vector<1x72x128xf32>
    %add3A_132 = vector.broadcast %broadcast_in_dim3A_131 : vector<1x72x128xf32> to vector<4x72x128xf32>
    %add3A_133 = arith.addf %add3A_132, %mul3A_130 : vector<4x72x128xf32>
    %get3A_134 = arith.constant 0 : index
    %get3A_135 = arith.constant 0 : index
    %get3A_136 = arith.constant 0 : index
    %get3A_137 = vector.load %arg2[%get3A_134, %get3A_135, %get3A_136] : memref<4x72x128xf32, #tpu.memory_space<vmem>>, vector<4x72x128xf32>
    %broadcast_in_dim3A_138 = vector.shape_cast %select_n3A_97 : vector<72x128xf32> to vector<1x72x128xf32>
    %mul3A_139 = vector.broadcast %broadcast_in_dim3A_138 : vector<1x72x128xf32> to vector<4x72x128xf32>
    %mul3A_140 = arith.mulf %get3A_137, %mul3A_139 : vector<4x72x128xf32>
    %broadcast_in_dim3A_141 = vector.shape_cast %add3A_123 : vector<72x128xf32> to vector<1x72x128xf32>
    %add3A_142 = vector.broadcast %broadcast_in_dim3A_141 : vector<1x72x128xf32> to vector<4x72x128xf32>
    %add3A_143 = arith.addf %add3A_142, %mul3A_140 : vector<4x72x128xf32>
    %get3A_144 = arith.constant 0 : index
    %get3A_145 = arith.constant 0 : index
    %get3A_146 = arith.constant 0 : index
    %get3A_147 = vector.load %arg3[%get3A_144, %get3A_145, %get3A_146] : memref<4x72x128xf32, #tpu.memory_space<vmem>>, vector<4x72x128xf32>
    %exp3A = math.exp %get3A_147 : vector<4x72x128xf32>
    %broadcast_in_dim3A_148 = vector.shape_cast %select_n3A_94 : vector<72x128xf32> to vector<1x72x128xf32>
    %mul3A_149 = vector.broadcast %broadcast_in_dim3A_148 : vector<1x72x128xf32> to vector<4x72x128xf32>
    %mul3A_150 = arith.mulf %mul3A_149, %exp3A : vector<4x72x128xf32>
    %get3A_151 = arith.constant 0 : index
    %get3A_152 = arith.constant 0 : index
    %get3A_153 = arith.constant 0 : index
    %get3A_154 = vector.load %arg4[%get3A_151, %get3A_152, %get3A_153] : memref<4x72x128xf32, #tpu.memory_space<vmem>>, vector<4x72x128xf32>
    %exp3A_155 = math.exp %get3A_154 : vector<4x72x128xf32>
    %broadcast_in_dim3A_156 = vector.shape_cast %select_n3A_97 : vector<72x128xf32> to vector<1x72x128xf32>
    %mul3A_157 = vector.broadcast %broadcast_in_dim3A_156 : vector<1x72x128xf32> to vector<4x72x128xf32>
    %mul3A_158 = arith.mulf %mul3A_157, %exp3A_155 : vector<4x72x128xf32>
    %mul3A_159 = arith.constant 5.000000e-01 : f32
    %mul3A_160 = vector.broadcast %mul3A_159 : f32 to vector<4x72x128xf32>
    %mul3A_161 = arith.mulf %mul3A_160, %mul3A_150 : vector<4x72x128xf32>
    %sub3A_162 = arith.subf %add3A_133, %mul3A_161 : vector<4x72x128xf32>
    %jit3A_163 = arith.constant 0.000000e+00 : f32
    %jit3A_164 = arith.constant 5.110000e+02 : f32
    %max3A = vector.broadcast %jit3A_163 : f32 to vector<4x72x128xf32>
    %max3A_165 = arith.maximumf %max3A, %sub3A_162 : vector<4x72x128xf32>
    %min3A = vector.broadcast %jit3A_164 : f32 to vector<4x72x128xf32>
    %min3A_166 = arith.minimumf %min3A, %max3A_165 : vector<4x72x128xf32>
    %swap3A = arith.constant 0 : index
    %swap3A_167 = arith.constant 0 : index
    %swap3A_168 = arith.constant 0 : index
    %swap3A_169 = vector.load %arg7[%swap3A, %swap3A_167, %swap3A_168] : memref<4x72x128xf32, #tpu.memory_space<vmem>>, vector<4x72x128xf32>
    tpu.vector_store %arg7[%swap3A, %swap3A_167, %swap3A_168], %min3A_166 {strides = array<i32>} : memref<4x72x128xf32, #tpu.memory_space<vmem>>, vector<4x72x128xf32>,
    %mul3A_170 = arith.constant 5.000000e-01 : f32
    %mul3A_171 = vector.broadcast %mul3A_170 : f32 to vector<4x72x128xf32>
    %mul3A_172 = arith.mulf %mul3A_171, %mul3A_158 : vector<4x72x128xf32>
    %sub3A_173 = arith.subf %add3A_143, %mul3A_172 : vector<4x72x128xf32>
    %jit3A_174 = arith.constant 0.000000e+00 : f32
    %jit3A_175 = arith.constant 5.110000e+02 : f32
    %max3A_176 = vector.broadcast %jit3A_174 : f32 to vector<4x72x128xf32>
    %max3A_177 = arith.maximumf %max3A_176, %sub3A_173 : vector<4x72x128xf32>
    %min3A_178 = vector.broadcast %jit3A_175 : f32 to vector<4x72x128xf32>
    %min3A_179 = arith.minimumf %min3A_178, %max3A_177 : vector<4x72x128xf32>
    %swap3A_180 = arith.constant 0 : index
    %swap3A_181 = arith.constant 0 : index
    %swap3A_182 = arith.constant 0 : index
    %swap3A_183 = vector.load %arg8[%swap3A_180, %swap3A_181, %swap3A_182] : memref<4x72x128xf32, #tpu.memory_space<vmem>>, vector<4x72x128xf32>
    tpu.vector_store %arg8[%swap3A_180, %swap3A_181, %swap3A_182], %min3A_179 {strides = array<i32>} : memref<4x72x128xf32, #tpu.memory_space<vmem>>, vector<4x72x128xf32>,
    %mul3A_184 = arith.constant 5.000000e-01 : f32
    %mul3A_185 = vector.broadcast %mul3A_184 : f32 to vector<4x72x128xf32>
    %mul3A_186 = arith.mulf %mul3A_185, %mul3A_150 : vector<4x72x128xf32>
    %add3A_187 = arith.addf %add3A_133, %mul3A_186 : vector<4x72x128xf32>
    %jit3A_188 = arith.constant 0.000000e+00 : f32
    %jit3A_189 = arith.constant 5.110000e+02 : f32
    %max3A_190 = vector.broadcast %jit3A_188 : f32 to vector<4x72x128xf32>
    %max3A_191 = arith.maximumf %max3A_190, %add3A_187 : vector<4x72x128xf32>
    %min3A_192 = vector.broadcast %jit3A_189 : f32 to vector<4x72x128xf32>
    %min3A_193 = arith.minimumf %min3A_192, %max3A_191 : vector<4x72x128xf32>
    %swap3A_194 = arith.constant 0 : index
    %swap3A_195 = arith.constant 0 : index
    %swap3A_196 = arith.constant 0 : index
    %swap3A_197 = vector.load %arg9[%swap3A_194, %swap3A_195, %swap3A_196] : memref<4x72x128xf32, #tpu.memory_space<vmem>>, vector<4x72x128xf32>
    tpu.vector_store %arg9[%swap3A_194, %swap3A_195, %swap3A_196], %min3A_193 {strides = array<i32>} : memref<4x72x128xf32, #tpu.memory_space<vmem>>, vector<4x72x128xf32>,
    %mul3A_198 = arith.constant 5.000000e-01 : f32
    %mul3A_199 = vector.broadcast %mul3A_198 : f32 to vector<4x72x128xf32>
    %mul3A_200 = arith.mulf %mul3A_199, %mul3A_158 : vector<4x72x128xf32>
    %add3A_201 = arith.addf %add3A_143, %mul3A_200 : vector<4x72x128xf32>
    %jit3A_202 = arith.constant 0.000000e+00 : f32
    %jit3A_203 = arith.constant 5.110000e+02 : f32
    %max3A_204 = vector.broadcast %jit3A_202 : f32 to vector<4x72x128xf32>
    %max3A_205 = arith.maximumf %max3A_204, %add3A_201 : vector<4x72x128xf32>
    %min3A_206 = vector.broadcast %jit3A_203 : f32 to vector<4x72x128xf32>
    %min3A_207 = arith.minimumf %min3A_206, %max3A_205 : vector<4x72x128xf32>
    %swap3A_208 = arith.constant 0 : index
    %swap3A_209 = arith.constant 0 : index
    %swap3A_210 = arith.constant 0 : index
    %swap3A_211 = vector.load %arg10[%swap3A_208, %swap3A_209, %swap3A_210] : memref<4x72x128xf32, #tpu.memory_space<vmem>>, vector<4x72x128xf32>
    tpu.vector_store %arg10[%swap3A_208, %swap3A_209, %swap3A_210], %min3A_207 {strides = array<i32>} : memref<4x72x128xf32, #tpu.memory_space<vmem>>, vector<4x72x128xf32>,
    %bitcast_convert_type3A = tpu.bitcast %get3A_2 : vector<4x72x128xf32> -> vector<4x72x128xi32>
    %broadcast_in_dim3A_212 = arith.constant 0 : i32
    %broadcast_in_dim3A_213 = vector.broadcast %broadcast_in_dim3A_212 : i32 to vector<4x1x1xi32>
    %broadcast_in_dim3A_214 = arith.constant 1065353216 : i32
    %broadcast_in_dim3A_215 = vector.broadcast %broadcast_in_dim3A_214 : i32 to vector<4x1x1xi32>
    %scan3A = arith.constant 0 : i32
    %scan3A_216 = arith.constant 31 : i32
    %scan3A_217 = arith.addi %scan3A, %scan3A_216 : i32
    %scan3A_218 = arith.constant 1 : i32
    %scan3A_219:2 = scf.for %scan3A_358 = %scan3A to %scan3A_217 step %scan3A_218 iter_args(%scan3A_359 = %broadcast_in_dim3A_213, %scan3A_360 = %broadcast_in_dim3A_215) -> (vector<4x1x1xi32>, vector<4x1x1xi32>)  : i32 {
      %add3A_361 = arith.addi %scan3A_359, %scan3A_360 : vector<4x1x1xi32>
      %shift_right_arithmetic3A_362 = arith.constant 1 : i32
      %shift_right_arithmetic3A_363 = vector.broadcast %shift_right_arithmetic3A_362 : i32 to vector<4x1x1xi32>
      %shift_right_arithmetic3A_364 = arith.shrsi %add3A_361, %shift_right_arithmetic3A_363 : vector<4x1x1xi32>
      %gt3A_365 = vector.broadcast %shift_right_arithmetic3A_364 : vector<4x1x1xi32> to vector<4x72x128xi32>
      %gt3A_366 = arith.cmpi sgt, %bitcast_convert_type3A, %gt3A_365 : vector<4x72x128xi32>
      %jit3A_367 = arith.constant 1.000000e+00 : f32
      %jit3A_368 = arith.constant 0.000000e+00 : f32
      %broadcast_in_dim3A_369 = vector.broadcast %jit3A_367 : f32 to vector<4x72x128xf32>
      %broadcast_in_dim3A_370 = vector.broadcast %jit3A_368 : f32 to vector<4x72x128xf32>
      %select_n3A_371 = arith.select %gt3A_366, %broadcast_in_dim3A_369, %broadcast_in_dim3A_370 : vector<4x72x128xi1>, vector<4x72x128xf32>
      %reduce_sum3A_372 = arith.constant dense<0.000000e+00> : vector<4x72xf32>
      %reduce_sum3A_373 = vector.multi_reduction <add>, %select_n3A_371, %reduce_sum3A_372 [2] : vector<4x72x128xf32> to vector<4x72xf32>
      %broadcast_in_dim3A_374 = vector.shape_cast %reduce_sum3A_373 : vector<4x72xf32> to vector<4x72x1xf32>
      %reduce_sum3A_375 = arith.constant dense<0.000000e+00> : vector<4x1xf32>
      %reduce_sum3A_376 = vector.multi_reduction <add>, %broadcast_in_dim3A_374, %reduce_sum3A_375 [1] : vector<4x72x1xf32> to vector<4x1xf32>
      %broadcast_in_dim3A_377 = vector.shape_cast %reduce_sum3A_376 : vector<4x1xf32> to vector<4x1x1xf32>
      %lt3A_378 = arith.constant 6.000000e+03 : f32
      %lt3A_379 = vector.broadcast %lt3A_378 : f32 to vector<4x1x1xf32>
      %lt3A_380 = arith.cmpf olt, %broadcast_in_dim3A_377, %lt3A_379 : vector<4x1x1xf32>
      %add3A_381 = arith.constant 1 : i32
      %add3A_382 = vector.broadcast %add3A_381 : i32 to vector<4x1x1xi32>
      %add3A_383 = arith.addi %shift_right_arithmetic3A_364, %add3A_382 : vector<4x1x1xi32>
      %select_n3A_384 = arith.select %lt3A_380, %scan3A_359, %add3A_383 : vector<4x1x1xi1>, vector<4x1x1xi32>
      %select_n3A_385 = arith.select %lt3A_380, %shift_right_arithmetic3A_364, %scan3A_360 : vector<4x1x1xi1>, vector<4x1x1xi32>
      scf.yield %select_n3A_384, %select_n3A_385 : vector<4x1x1xi32>, vector<4x1x1xi32>
    }
    %bitcast_convert_type3A_220 = tpu.bitcast %scan3A_219#0 : vector<4x1x1xi32> -> vector<4x1x1xf32>
    %gt3A = vector.broadcast %bitcast_convert_type3A_220 : vector<4x1x1xf32> to vector<4x72x128xf32>
    %gt3A_221 = arith.cmpf ogt, %get3A_2, %gt3A : vector<4x72x128xf32>
    %eq3A_222 = vector.broadcast %bitcast_convert_type3A_220 : vector<4x1x1xf32> to vector<4x72x128xf32>
    %eq3A_223 = arith.cmpf oeq, %get3A_2, %eq3A_222 : vector<4x72x128xf32>
    %jit3A_224 = arith.constant 1.000000e+00 : f32
    %jit3A_225 = arith.constant 0.000000e+00 : f32
    %broadcast_in_dim3A_226 = vector.broadcast %jit3A_224 : f32 to vector<4x72x128xf32>
    %broadcast_in_dim3A_227 = vector.broadcast %jit3A_225 : f32 to vector<4x72x128xf32>
    %select_n3A_228 = arith.select %gt3A_221, %broadcast_in_dim3A_226, %broadcast_in_dim3A_227 : vector<4x72x128xi1>, vector<4x72x128xf32>
    %reduce_sum3A = arith.constant dense<0.000000e+00> : vector<4x72xf32>
    %reduce_sum3A_229 = vector.multi_reduction <add>, %select_n3A_228, %reduce_sum3A [2] : vector<4x72x128xf32> to vector<4x72xf32>
    %broadcast_in_dim3A_230 = vector.shape_cast %reduce_sum3A_229 : vector<4x72xf32> to vector<4x72x1xf32>
    %reduce_sum3A_231 = arith.constant dense<0.000000e+00> : vector<4x1xf32>
    %reduce_sum3A_232 = vector.multi_reduction <add>, %broadcast_in_dim3A_230, %reduce_sum3A_231 [1] : vector<4x72x1xf32> to vector<4x1xf32>
    %broadcast_in_dim3A_233 = vector.shape_cast %reduce_sum3A_232 : vector<4x1xf32> to vector<4x1x1xf32>
    %sub3A_234 = arith.constant 6.000000e+03 : f32
    %sub3A_235 = vector.broadcast %sub3A_234 : f32 to vector<4x1x1xf32>
    %sub3A_236 = arith.subf %sub3A_235, %broadcast_in_dim3A_233 : vector<4x1x1xf32>
    %jit3A_237 = arith.constant 1.000000e+00 : f32
    %jit3A_238 = arith.constant 0.000000e+00 : f32
    %broadcast_in_dim3A_239 = vector.broadcast %jit3A_237 : f32 to vector<4x72x128xf32>
    %broadcast_in_dim3A_240 = vector.broadcast %jit3A_238 : f32 to vector<4x72x128xf32>
    %select_n3A_241 = arith.select %eq3A_223, %broadcast_in_dim3A_239, %broadcast_in_dim3A_240 : vector<4x72x128xi1>, vector<4x72x128xf32>
    %reshape3A = vector.shape_cast %select_n3A_241 : vector<4x72x128xf32> to vector<288x128xf32>
    %iota3A_242 = tpu.iota {dimensions = array<i32: 0>} : vector<128x128xi32>
    %iota3A_243 = tpu.iota {dimensions = array<i32: 1>} : vector<128x128xi32>
    %lt3A = arith.cmpi slt, %iota3A_242, %iota3A_243 : vector<128x128xi32>
    %jit3A_244 = arith.constant 1.000000e+00 : f32
    %jit3A_245 = arith.constant 0.000000e+00 : f32
    %broadcast_in_dim3A_246 = vector.broadcast %jit3A_244 : f32 to vector<128x128xf32>
    %broadcast_in_dim3A_247 = vector.broadcast %jit3A_245 : f32 to vector<128x128xf32>
    %select_n3A_248 = arith.select %lt3A, %broadcast_in_dim3A_246, %broadcast_in_dim3A_247 : vector<128x128xi1>, vector<128x128xf32>
    %dot_general3A = arith.constant dense<0.000000e+00> : vector<288x128xf32>
    %dot_general3A_249 = tpu.matmul %reshape3A, %select_n3A_248, %dot_general3A {dimension_numbers = #tpu.dot_dimension_numbers<[1], [0], [0], [1], [0, 0, 1, 1], [], []>, precision = #tpu.contract_precision<fp32>, transpose_lhs_hint = false} : vector<288x128xf32>, vector<128x128xf32>, vector<288x128xf32> -> vector<288x128xf32>
    %reduce_sum3A_250 = arith.constant dense<0.000000e+00> : vector<288xf32>
    %reduce_sum3A_251 = vector.multi_reduction <add>, %reshape3A, %reduce_sum3A_250 [1] : vector<288x128xf32> to vector<288xf32>
    %broadcast_in_dim3A_252 = vector.shape_cast %reduce_sum3A_251 : vector<288xf32> to vector<288x1xf32>
    %iota3A_253 = tpu.iota {dimensions = array<i32: 0>} : vector<288x288xi32>
    %iota3A_254 = tpu.iota {dimensions = array<i32: 1>} : vector<288x288xi32>
    %jit3A_255 = arith.constant 72 : i32
    %div3A_256 = vector.broadcast %jit3A_255 : i32 to vector<288x288xi32>
    %div3A_257 = arith.divsi %iota3A_253, %div3A_256 : vector<288x288xi32>
    %sign3A = arith.constant 0 : i32
    %sign3A_258 = vector.broadcast %sign3A : i32 to vector<288x288xi32>
    %sign3A_259 = arith.cmpi sgt, %iota3A_253, %sign3A_258 : vector<288x288xi32>
    %sign3A_260 = arith.extui %sign3A_259 : vector<288x288xi1> to vector<288x288xi32>
    %sign3A_261 = arith.constant 0 : i32
    %sign3A_262 = vector.broadcast %sign3A_261 : i32 to vector<288x288xi32>
    %sign3A_263 = arith.cmpi slt, %iota3A_253, %sign3A_262 : vector<288x288xi32>
    %sign3A_264 = arith.extui %sign3A_263 : vector<288x288xi1> to vector<288x288xi32>
    %sign3A_265 = arith.subi %sign3A_260, %sign3A_264 : vector<288x288xi32>
    %sign3A_266 = arith.constant 0 : i32
    %sign3A_267 = arith.cmpi sgt, %jit3A_255, %sign3A_266 : i32
    %sign3A_268 = arith.extui %sign3A_267 : i1 to i32
    %sign3A_269 = arith.constant 0 : i32
    %sign3A_270 = arith.cmpi slt, %jit3A_255, %sign3A_269 : i32
    %sign3A_271 = arith.extui %sign3A_270 : i1 to i32
    %sign3A_272 = arith.subi %sign3A_268, %sign3A_271 : i32
    %ne3A = vector.broadcast %sign3A_272 : i32 to vector<288x288xi32>
    %ne3A_273 = arith.cmpi ne, %sign3A_265, %ne3A : vector<288x288xi32>
    %rem3A = vector.broadcast %jit3A_255 : i32 to vector<288x288xi32>
    %rem3A_274 = arith.remsi %iota3A_253, %rem3A : vector<288x288xi32>
    %ne3A_275 = arith.constant 0 : i32
    %ne3A_276 = vector.broadcast %ne3A_275 : i32 to vector<288x288xi32>
    %ne3A_277 = arith.cmpi ne, %rem3A_274, %ne3A_276 : vector<288x288xi32>
    %and3A_278 = arith.andi %ne3A_273, %ne3A_277 : vector<288x288xi1>
    %sub3A_279 = arith.constant 1 : i32
    %sub3A_280 = vector.broadcast %sub3A_279 : i32 to vector<288x288xi32>
    %sub3A_281 = arith.subi %div3A_257, %sub3A_280 : vector<288x288xi32>
    %select_n3A_282 = arith.select %and3A_278, %sub3A_281, %div3A_257 : vector<288x288xi1>, vector<288x288xi32>
    %jit3A_283 = arith.constant 72 : i32
    %div3A_284 = vector.broadcast %jit3A_283 : i32 to vector<288x288xi32>
    %div3A_285 = arith.divsi %iota3A_254, %div3A_284 : vector<288x288xi32>
    %sign3A_286 = arith.constant 0 : i32
    %sign3A_287 = vector.broadcast %sign3A_286 : i32 to vector<288x288xi32>
    %sign3A_288 = arith.cmpi sgt, %iota3A_254, %sign3A_287 : vector<288x288xi32>
    %sign3A_289 = arith.extui %sign3A_288 : vector<288x288xi1> to vector<288x288xi32>
    %sign3A_290 = arith.constant 0 : i32
    %sign3A_291 = vector.broadcast %sign3A_290 : i32 to vector<288x288xi32>
    %sign3A_292 = arith.cmpi slt, %iota3A_254, %sign3A_291 : vector<288x288xi32>
    %sign3A_293 = arith.extui %sign3A_292 : vector<288x288xi1> to vector<288x288xi32>
    %sign3A_294 = arith.subi %sign3A_289, %sign3A_293 : vector<288x288xi32>
    %sign3A_295 = arith.constant 0 : i32
    %sign3A_296 = arith.cmpi sgt, %jit3A_283, %sign3A_295 : i32
    %sign3A_297 = arith.extui %sign3A_296 : i1 to i32
    %sign3A_298 = arith.constant 0 : i32
    %sign3A_299 = arith.cmpi slt, %jit3A_283, %sign3A_298 : i32
    %sign3A_300 = arith.extui %sign3A_299 : i1 to i32
    %sign3A_301 = arith.subi %sign3A_297, %sign3A_300 : i32
    %ne3A_302 = vector.broadcast %sign3A_301 : i32 to vector<288x288xi32>
    %ne3A_303 = arith.cmpi ne, %sign3A_294, %ne3A_302 : vector<288x288xi32>
    %rem3A_304 = vector.broadcast %jit3A_283 : i32 to vector<288x288xi32>
    %rem3A_305 = arith.remsi %iota3A_254, %rem3A_304 : vector<288x288xi32>
    %ne3A_306 = arith.constant 0 : i32
    %ne3A_307 = vector.broadcast %ne3A_306 : i32 to vector<288x288xi32>
    %ne3A_308 = arith.cmpi ne, %rem3A_305, %ne3A_307 : vector<288x288xi32>
    %and3A_309 = arith.andi %ne3A_303, %ne3A_308 : vector<288x288xi1>
    %sub3A_310 = arith.constant 1 : i32
    %sub3A_311 = vector.broadcast %sub3A_310 : i32 to vector<288x288xi32>
    %sub3A_312 = arith.subi %div3A_285, %sub3A_311 : vector<288x288xi32>
    %select_n3A_313 = arith.select %and3A_309, %sub3A_312, %div3A_285 : vector<288x288xi1>, vector<288x288xi32>
    %eq3A_314 = arith.cmpi eq, %select_n3A_282, %select_n3A_313 : vector<288x288xi32>
    %lt3A_315 = arith.cmpi slt, %iota3A_254, %iota3A_253 : vector<288x288xi32>
    %and3A_316 = arith.andi %eq3A_314, %lt3A_315 : vector<288x288xi1>
    %jit3A_317 = arith.constant 1.000000e+00 : f32
    %jit3A_318 = arith.constant 0.000000e+00 : f32
    %broadcast_in_dim3A_319 = vector.broadcast %jit3A_317 : f32 to vector<288x288xf32>
    %broadcast_in_dim3A_320 = vector.broadcast %jit3A_318 : f32 to vector<288x288xf32>
    %select_n3A_321 = arith.select %and3A_316, %broadcast_in_dim3A_319, %broadcast_in_dim3A_320 : vector<288x288xi1>, vector<288x288xf32>
    %dot_general3A_322 = arith.constant dense<0.000000e+00> : vector<288x1xf32>
    %dot_general3A_323 = tpu.matmul %select_n3A_321, %broadcast_in_dim3A_252, %dot_general3A_322 {dimension_numbers = #tpu.dot_dimension_numbers<[1], [0], [0], [1], [0, 0, 1, 1], [], []>, precision = #tpu.contract_precision<fp32>, transpose_lhs_hint = false} : vector<288x288xf32>, vector<288x1xf32>, vector<288x1xf32> -> vector<288x1xf32>
    %add3A_324 = vector.broadcast %dot_general3A_323 : vector<288x1xf32> to vector<288x128xf32>
    %add3A_325 = arith.addf %dot_general3A_249, %add3A_324 : vector<288x128xf32>
    %reshape3A_326 = vector.shape_cast %add3A_325 : vector<288x128xf32> to vector<4x72x128xf32>
    %lt3A_327 = vector.broadcast %sub3A_236 : vector<4x1x1xf32> to vector<4x72x128xf32>
    %lt3A_328 = arith.cmpf olt, %reshape3A_326, %lt3A_327 : vector<4x72x128xf32>
    %and3A_329 = arith.andi %eq3A_223, %lt3A_328 : vector<4x72x128xi1>
    %or3A = arith.ori %gt3A_221, %and3A_329 : vector<4x72x128xi1>
    %jit3A_330 = arith.constant -1.000000e+09 : f32
    %broadcast_in_dim3A_331 = vector.broadcast %jit3A_330 : f32 to vector<4x72x128xf32>
    %select_n3A_332 = arith.select %or3A, %get3A_2, %broadcast_in_dim3A_331 : vector<4x72x128xi1>, vector<4x72x128xf32>
    %swap3A_333 = arith.constant 0 : index
    %swap3A_334 = arith.constant 0 : index
    %swap3A_335 = arith.constant 0 : index
    %swap3A_336 = vector.load %arg5[%swap3A_333, %swap3A_334, %swap3A_335] : memref<4x72x128xf32, #tpu.memory_space<vmem>>, vector<4x72x128xf32>
    tpu.vector_store %arg5[%swap3A_333, %swap3A_334, %swap3A_335], %select_n3A_332 {strides = array<i32>} : memref<4x72x128xf32, #tpu.memory_space<vmem>>, vector<4x72x128xf32>,
    %jit3A_337 = arith.constant 1.000000e+00 : f32
    %jit3A_338 = arith.constant 0.000000e+00 : f32
    %broadcast_in_dim3A_339 = vector.broadcast %jit3A_337 : f32 to vector<4x72x128xf32>
    %broadcast_in_dim3A_340 = vector.broadcast %jit3A_338 : f32 to vector<4x72x128xf32>
    %select_n3A_341 = arith.select %or3A, %broadcast_in_dim3A_339, %broadcast_in_dim3A_340 : vector<4x72x128xi1>, vector<4x72x128xf32>
    %reshape3A_342 = vector.shape_cast %select_n3A_341 : vector<4x72x128xf32> to vector<288x128xf32>
    %dot_general3A_343 = arith.constant dense<0.000000e+00> : vector<288x128xf32>
    %dot_general3A_344 = tpu.matmul %reshape3A_342, %select_n3A_248, %dot_general3A_343 {dimension_numbers = #tpu.dot_dimension_numbers<[1], [0], [0], [1], [0, 0, 1, 1], [], []>, precision = #tpu.contract_precision<fp32>, transpose_lhs_hint = false} : vector<288x128xf32>, vector<128x128xf32>, vector<288x128xf32> -> vector<288x128xf32>
    %reduce_sum3A_345 = arith.constant dense<0.000000e+00> : vector<288xf32>
    %reduce_sum3A_346 = vector.multi_reduction <add>, %reshape3A_342, %reduce_sum3A_345 [1] : vector<288x128xf32> to vector<288xf32>
    %broadcast_in_dim3A_347 = vector.shape_cast %reduce_sum3A_346 : vector<288xf32> to vector<288x1xf32>
    %dot_general3A_348 = arith.constant dense<0.000000e+00> : vector<288x1xf32>
    %dot_general3A_349 = tpu.matmul %select_n3A_321, %broadcast_in_dim3A_347, %dot_general3A_348 {dimension_numbers = #tpu.dot_dimension_numbers<[1], [0], [0], [1], [0, 0, 1, 1], [], []>, precision = #tpu.contract_precision<fp32>, transpose_lhs_hint = false} : vector<288x288xf32>, vector<288x1xf32>, vector<288x1xf32> -> vector<288x1xf32>
    %add3A_350 = vector.broadcast %dot_general3A_349 : vector<288x1xf32> to vector<288x128xf32>
    %add3A_351 = arith.addf %dot_general3A_344, %add3A_350 : vector<288x128xf32>
    %reshape3A_352 = vector.shape_cast %add3A_351 : vector<288x128xf32> to vector<4x72x128xf32>
    %convert_element_type3A_353 = arith.fptosi %reshape3A_352 : vector<4x72x128xf32> to vector<4x72x128xi32>
    %swap3A_354 = arith.constant 0 : index
    %swap3A_355 = arith.constant 0 : index
    %swap3A_356 = arith.constant 0 : index
    %swap3A_357 = vector.load %arg6[%swap3A_354, %swap3A_355, %swap3A_356] : memref<4x72x128xi32, #tpu.memory_space<vmem>>, vector<4x72x128xi32>
    tpu.vector_store %arg6[%swap3A_354, %swap3A_355, %swap3A_356], %convert_element_type3A_353 {strides = array<i32>} : memref<4x72x128xi32, #tpu.memory_space<vmem>>, vector<4x72x128xi32>,
    return
  }
}

module attributes {stable_mosaic.version = 14 : i64} {
  func.func @_scan_body(%arg0: memref<4x48x128xf32, #tpu.memory_space<vmem>>, %arg1: memref<4x48x128xf32, #tpu.memory_space<vmem>>, %arg2: memref<4x48x128xf32, #tpu.memory_space<vmem>>, %arg3: memref<4x48x128xf32, #tpu.memory_space<vmem>>, %arg4: memref<4x48x128xf32, #tpu.memory_space<vmem>>, %arg5: memref<300x4x4xf32, #tpu.memory_space<vmem>>) attributes {dimension_semantics = [], scalar_prefetch = 0 : i64, scratch_operands = 0 : i64, tpu.core_type = #tpu.core_type<tc>} {
    %get3A = arith.constant 0 : index
    %get3A_0 = arith.constant 0 : index
    %get3A_1 = arith.constant 0 : index
    %get3A_2 = vector.load %arg0[%get3A, %get3A_0, %get3A_1] : memref<4x48x128xf32, #tpu.memory_space<vmem>>, vector<4x48x128xf32>
    %get3A_3 = arith.constant 0 : index
    %get3A_4 = arith.constant 0 : index
    %get3A_5 = arith.constant 0 : index
    %get3A_6 = vector.load %arg1[%get3A_3, %get3A_4, %get3A_5] : memref<4x48x128xf32, #tpu.memory_space<vmem>>, vector<4x48x128xf32>
    %get3A_7 = arith.constant 0 : index
    %get3A_8 = arith.constant 0 : index
    %get3A_9 = arith.constant 0 : index
    %get3A_10 = vector.load %arg2[%get3A_7, %get3A_8, %get3A_9] : memref<4x48x128xf32, #tpu.memory_space<vmem>>, vector<4x48x128xf32>
    %get3A_11 = arith.constant 0 : index
    %get3A_12 = arith.constant 0 : index
    %get3A_13 = arith.constant 0 : index
    %get3A_14 = vector.load %arg3[%get3A_11, %get3A_12, %get3A_13] : memref<4x48x128xf32, #tpu.memory_space<vmem>>, vector<4x48x128xf32>
    %get3A_15 = arith.constant 0 : index
    %get3A_16 = arith.constant 0 : index
    %get3A_17 = arith.constant 0 : index
    %get3A_18 = vector.load %arg4[%get3A_15, %get3A_16, %get3A_17] : memref<4x48x128xf32, #tpu.memory_space<vmem>>, vector<4x48x128xf32>
    %sub3A = arith.subf %get3A_14, %get3A_6 : vector<4x48x128xf32>
    %max3A = arith.constant 0.000000e+00 : f32
    %max3A_19 = vector.broadcast %max3A : f32 to vector<4x48x128xf32>
    %max3A_20 = arith.maximumf %sub3A, %max3A_19 : vector<4x48x128xf32>
    %sub3A_21 = arith.subf %get3A_18, %get3A_10 : vector<4x48x128xf32>
    %max3A_22 = arith.constant 0.000000e+00 : f32
    %max3A_23 = vector.broadcast %max3A_22 : f32 to vector<4x48x128xf32>
    %max3A_24 = arith.maximumf %sub3A_21, %max3A_23 : vector<4x48x128xf32>
    %mul3A = arith.mulf %max3A_20, %max3A_24 : vector<4x48x128xf32>
    %iota3A = tpu.iota {dimensions = array<i32: 0>} : vector<48x128xi32>
    %mul3A_25 = arith.constant 128 : i32
    %mul3A_26 = vector.broadcast %mul3A_25 : i32 to vector<48x128xi32>
    %mul3A_27 = arith.muli %iota3A, %mul3A_26 : vector<48x128xi32>
    %iota3A_28 = tpu.iota {dimensions = array<i32: 1>} : vector<48x128xi32>
    %add3A = arith.addi %mul3A_27, %iota3A_28 : vector<48x128xi32>
    %reduce_max3A = arith.constant dense<0xFF800000> : vector<4x48xf32>
    %reduce_max3A_29 = vector.multi_reduction <maximumf>, %get3A_2, %reduce_max3A [2] : vector<4x48x128xf32> to vector<4x48xf32>
    %broadcast_in_dim3A = vector.shape_cast %reduce_max3A_29 : vector<4x48xf32> to vector<4x48x1xf32>
    %reduce_max3A_30 = arith.constant dense<0xFF800000> : vector<4x1xf32>
    %reduce_max3A_31 = vector.multi_reduction <maximumf>, %broadcast_in_dim3A, %reduce_max3A_30 [1] : vector<4x48x1xf32> to vector<4x1xf32>
    %broadcast_in_dim3A_32 = vector.shape_cast %reduce_max3A_31 : vector<4x1xf32> to vector<4x1x1xf32>
    %eq3A = vector.broadcast %broadcast_in_dim3A_32 : vector<4x1x1xf32> to vector<4x48x128xf32>
    %eq3A_33 = arith.cmpf oeq, %get3A_2, %eq3A : vector<4x48x128xf32>
    %jit3A = arith.constant 1073741824 : i32
    %broadcast_in_dim3A_34 = vector.shape_cast %add3A : vector<48x128xi32> to vector<1x48x128xi32>
    %broadcast_in_dim3A_35 = vector.broadcast %broadcast_in_dim3A_34 : vector<1x48x128xi32> to vector<4x48x128xi32>
    %broadcast_in_dim3A_36 = vector.broadcast %jit3A : i32 to vector<4x48x128xi32>
    %select_n3A = arith.select %eq3A_33, %broadcast_in_dim3A_35, %broadcast_in_dim3A_36 : vector<4x48x128xi1>, vector<4x48x128xi32>
    %reduce_min3A = arith.constant dense<2147483647> : vector<4x48xi32>
    %reduce_min3A_37 = vector.multi_reduction <minsi>, %select_n3A, %reduce_min3A [2] : vector<4x48x128xi32> to vector<4x48xi32>
    %broadcast_in_dim3A_38 = vector.shape_cast %reduce_min3A_37 : vector<4x48xi32> to vector<4x48x1xi32>
    %reduce_min3A_39 = arith.constant dense<2147483647> : vector<4x1xi32>
    %reduce_min3A_40 = vector.multi_reduction <minsi>, %broadcast_in_dim3A_38, %reduce_min3A_39 [1] : vector<4x48x1xi32> to vector<4x1xi32>
    %broadcast_in_dim3A_41 = vector.shape_cast %reduce_min3A_40 : vector<4x1xi32> to vector<4x1x1xi32>
    %scan3A = arith.constant 0 : i32
    %scan3A_42 = arith.constant 300 : i32
    %scan3A_43 = arith.addi %scan3A, %scan3A_42 : i32
    %scan3A_44 = arith.constant 1 : i32
    %scan3A_45 = scf.for %scan3A_47 = %scan3A to %scan3A_43 step %scan3A_44 iter_args(%scan3A_48 = %get3A_2) -> (vector<4x48x128xf32>)  : i32 {
      %reduce_max3A_49 = arith.constant dense<0xFF800000> : vector<4x48xf32>
      %reduce_max3A_50 = vector.multi_reduction <maximumf>, %scan3A_48, %reduce_max3A_49 [2] : vector<4x48x128xf32> to vector<4x48xf32>
      %broadcast_in_dim3A_51 = vector.shape_cast %reduce_max3A_50 : vector<4x48xf32> to vector<4x48x1xf32>
      %reduce_max3A_52 = arith.constant dense<0xFF800000> : vector<4x1xf32>
      %reduce_max3A_53 = vector.multi_reduction <maximumf>, %broadcast_in_dim3A_51, %reduce_max3A_52 [1] : vector<4x48x1xf32> to vector<4x1xf32>
      %broadcast_in_dim3A_54 = vector.shape_cast %reduce_max3A_53 : vector<4x1xf32> to vector<4x1x1xf32>
      %eq3A_55 = vector.broadcast %broadcast_in_dim3A_54 : vector<4x1x1xf32> to vector<4x48x128xf32>
      %eq3A_56 = arith.cmpf oeq, %scan3A_48, %eq3A_55 : vector<4x48x128xf32>
      %jit3A_57 = arith.constant 1073741824 : i32
      %broadcast_in_dim3A_58 = vector.shape_cast %add3A : vector<48x128xi32> to vector<1x48x128xi32>
      %broadcast_in_dim3A_59 = vector.broadcast %broadcast_in_dim3A_58 : vector<1x48x128xi32> to vector<4x48x128xi32>
      %broadcast_in_dim3A_60 = vector.broadcast %jit3A_57 : i32 to vector<4x48x128xi32>
      %select_n3A_61 = arith.select %eq3A_56, %broadcast_in_dim3A_59, %broadcast_in_dim3A_60 : vector<4x48x128xi1>, vector<4x48x128xi32>
      %reduce_min3A_62 = arith.constant dense<2147483647> : vector<4x48xi32>
      %reduce_min3A_63 = vector.multi_reduction <minsi>, %select_n3A_61, %reduce_min3A_62 [2] : vector<4x48x128xi32> to vector<4x48xi32>
      %broadcast_in_dim3A_64 = vector.shape_cast %reduce_min3A_63 : vector<4x48xi32> to vector<4x48x1xi32>
      %reduce_min3A_65 = arith.constant dense<2147483647> : vector<4x1xi32>
      %reduce_min3A_66 = vector.multi_reduction <minsi>, %broadcast_in_dim3A_64, %reduce_min3A_65 [1] : vector<4x48x1xi32> to vector<4x1xi32>
      %broadcast_in_dim3A_67 = vector.shape_cast %reduce_min3A_66 : vector<4x1xi32> to vector<4x1x1xi32>
      %gt3A = arith.constant -1.000000e+09 : f32
      %gt3A_68 = vector.broadcast %gt3A : f32 to vector<4x1x1xf32>
      %gt3A_69 = arith.cmpf ogt, %broadcast_in_dim3A_54, %gt3A_68 : vector<4x1x1xf32>
      %select_n3A_70 = arith.select %gt3A_69, %broadcast_in_dim3A_67, %broadcast_in_dim3A_41 : vector<4x1x1xi1>, vector<4x1x1xi32>
      %broadcast_in_dim3A_71 = vector.shape_cast %add3A : vector<48x128xi32> to vector<1x48x128xi32>
      %eq3A_72 = vector.broadcast %broadcast_in_dim3A_71 : vector<1x48x128xi32> to vector<4x48x128xi32>
      %eq3A_73 = vector.broadcast %select_n3A_70 : vector<4x1x1xi32> to vector<4x48x128xi32>
      %eq3A_74 = arith.cmpi eq, %eq3A_72, %eq3A_73 : vector<4x48x128xi32>
      %jit3A_75 = arith.constant -1.000000e+09 : f32
      %broadcast_in_dim3A_76 = vector.broadcast %jit3A_75 : f32 to vector<4x48x128xf32>
      %select_n3A_77 = arith.select %eq3A_74, %get3A_6, %broadcast_in_dim3A_76 : vector<4x48x128xi1>, vector<4x48x128xf32>
      %reduce_max3A_78 = arith.constant dense<0xFF800000> : vector<4x48xf32>
      %reduce_max3A_79 = vector.multi_reduction <maximumf>, %select_n3A_77, %reduce_max3A_78 [2] : vector<4x48x128xf32> to vector<4x48xf32>
      %broadcast_in_dim3A_80 = vector.shape_cast %reduce_max3A_79 : vector<4x48xf32> to vector<4x48x1xf32>
      %reduce_max3A_81 = arith.constant dense<0xFF800000> : vector<4x1xf32>
      %reduce_max3A_82 = vector.multi_reduction <maximumf>, %broadcast_in_dim3A_80, %reduce_max3A_81 [1] : vector<4x48x1xf32> to vector<4x1xf32>
      %broadcast_in_dim3A_83 = vector.shape_cast %reduce_max3A_82 : vector<4x1xf32> to vector<4x1x1xf32>
      %jit3A_84 = arith.constant -1.000000e+09 : f32
      %broadcast_in_dim3A_85 = vector.broadcast %jit3A_84 : f32 to vector<4x48x128xf32>
      %select_n3A_86 = arith.select %eq3A_74, %get3A_10, %broadcast_in_dim3A_85 : vector<4x48x128xi1>, vector<4x48x128xf32>
      %reduce_max3A_87 = arith.constant dense<0xFF800000> : vector<4x48xf32>
      %reduce_max3A_88 = vector.multi_reduction <maximumf>, %select_n3A_86, %reduce_max3A_87 [2] : vector<4x48x128xf32> to vector<4x48xf32>
      %broadcast_in_dim3A_89 = vector.shape_cast %reduce_max3A_88 : vector<4x48xf32> to vector<4x48x1xf32>
      %reduce_max3A_90 = arith.constant dense<0xFF800000> : vector<4x1xf32>
      %reduce_max3A_91 = vector.multi_reduction <maximumf>, %broadcast_in_dim3A_89, %reduce_max3A_90 [1] : vector<4x48x1xf32> to vector<4x1xf32>
      %broadcast_in_dim3A_92 = vector.shape_cast %reduce_max3A_91 : vector<4x1xf32> to vector<4x1x1xf32>
      %jit3A_93 = arith.constant -1.000000e+09 : f32
      %broadcast_in_dim3A_94 = vector.broadcast %jit3A_93 : f32 to vector<4x48x128xf32>
      %select_n3A_95 = arith.select %eq3A_74, %get3A_14, %broadcast_in_dim3A_94 : vector<4x48x128xi1>, vector<4x48x128xf32>
      %reduce_max3A_96 = arith.constant dense<0xFF800000> : vector<4x48xf32>
      %reduce_max3A_97 = vector.multi_reduction <maximumf>, %select_n3A_95, %reduce_max3A_96 [2] : vector<4x48x128xf32> to vector<4x48xf32>
      %broadcast_in_dim3A_98 = vector.shape_cast %reduce_max3A_97 : vector<4x48xf32> to vector<4x48x1xf32>
      %reduce_max3A_99 = arith.constant dense<0xFF800000> : vector<4x1xf32>
      %reduce_max3A_100 = vector.multi_reduction <maximumf>, %broadcast_in_dim3A_98, %reduce_max3A_99 [1] : vector<4x48x1xf32> to vector<4x1xf32>
      %broadcast_in_dim3A_101 = vector.shape_cast %reduce_max3A_100 : vector<4x1xf32> to vector<4x1x1xf32>
      %jit3A_102 = arith.constant -1.000000e+09 : f32
      %broadcast_in_dim3A_103 = vector.broadcast %jit3A_102 : f32 to vector<4x48x128xf32>
      %select_n3A_104 = arith.select %eq3A_74, %get3A_18, %broadcast_in_dim3A_103 : vector<4x48x128xi1>, vector<4x48x128xf32>
      %reduce_max3A_105 = arith.constant dense<0xFF800000> : vector<4x48xf32>
      %reduce_max3A_106 = vector.multi_reduction <maximumf>, %select_n3A_104, %reduce_max3A_105 [2] : vector<4x48x128xf32> to vector<4x48xf32>
      %broadcast_in_dim3A_107 = vector.shape_cast %reduce_max3A_106 : vector<4x48xf32> to vector<4x48x1xf32>
      %reduce_max3A_108 = arith.constant dense<0xFF800000> : vector<4x1xf32>
      %reduce_max3A_109 = vector.multi_reduction <maximumf>, %broadcast_in_dim3A_107, %reduce_max3A_108 [1] : vector<4x48x1xf32> to vector<4x1xf32>
      %broadcast_in_dim3A_110 = vector.shape_cast %reduce_max3A_109 : vector<4x1xf32> to vector<4x1x1xf32>
      %max3A_111 = vector.broadcast %broadcast_in_dim3A_83 : vector<4x1x1xf32> to vector<4x48x128xf32>
      %max3A_112 = arith.maximumf %max3A_111, %get3A_6 : vector<4x48x128xf32>
      %max3A_113 = vector.broadcast %broadcast_in_dim3A_92 : vector<4x1x1xf32> to vector<4x48x128xf32>
      %max3A_114 = arith.maximumf %max3A_113, %get3A_10 : vector<4x48x128xf32>
      %min3A = vector.broadcast %broadcast_in_dim3A_101 : vector<4x1x1xf32> to vector<4x48x128xf32>
      %min3A_115 = arith.minimumf %min3A, %get3A_14 : vector<4x48x128xf32>
      %min3A_116 = vector.broadcast %broadcast_in_dim3A_110 : vector<4x1x1xf32> to vector<4x48x128xf32>
      %min3A_117 = arith.minimumf %min3A_116, %get3A_18 : vector<4x48x128xf32>
      %sub3A_118 = arith.subf %min3A_115, %max3A_112 : vector<4x48x128xf32>
      %max3A_119 = arith.constant 0.000000e+00 : f32
      %max3A_120 = vector.broadcast %max3A_119 : f32 to vector<4x48x128xf32>
      %max3A_121 = arith.maximumf %sub3A_118, %max3A_120 : vector<4x48x128xf32>
      %sub3A_122 = arith.subf %min3A_117, %max3A_114 : vector<4x48x128xf32>
      %max3A_123 = arith.constant 0.000000e+00 : f32
      %max3A_124 = vector.broadcast %max3A_123 : f32 to vector<4x48x128xf32>
      %max3A_125 = arith.maximumf %sub3A_122, %max3A_124 : vector<4x48x128xf32>
      %mul3A_126 = arith.mulf %max3A_121, %max3A_125 : vector<4x48x128xf32>
      %sub3A_127 = arith.subf %broadcast_in_dim3A_101, %broadcast_in_dim3A_83 : vector<4x1x1xf32>
      %max3A_128 = arith.constant 0.000000e+00 : f32
      %max3A_129 = vector.broadcast %max3A_128 : f32 to vector<4x1x1xf32>
      %max3A_130 = arith.maximumf %sub3A_127, %max3A_129 : vector<4x1x1xf32>
      %sub3A_131 = arith.subf %broadcast_in_dim3A_110, %broadcast_in_dim3A_92 : vector<4x1x1xf32>
      %max3A_132 = arith.constant 0.000000e+00 : f32
      %max3A_133 = vector.broadcast %max3A_132 : f32 to vector<4x1x1xf32>
      %max3A_134 = arith.maximumf %sub3A_131, %max3A_133 : vector<4x1x1xf32>
      %mul3A_135 = arith.mulf %max3A_130, %max3A_134 : vector<4x1x1xf32>
      %add3A_136 = vector.broadcast %mul3A_135 : vector<4x1x1xf32> to vector<4x48x128xf32>
      %add3A_137 = arith.addf %add3A_136, %mul3A : vector<4x48x128xf32>
      %sub3A_138 = arith.subf %add3A_137, %mul3A_126 : vector<4x48x128xf32>
      %add3A_139 = arith.constant 9.99999993E-9 : f32
      %add3A_140 = vector.broadcast %add3A_139 : f32 to vector<4x48x128xf32>
      %add3A_141 = arith.addf %sub3A_138, %add3A_140 : vector<4x48x128xf32>
      %div3A = arith.divf %mul3A_126, %add3A_141 : vector<4x48x128xf32>
      %gt3A_142 = arith.constant 0.699999988 : f32
      %gt3A_143 = vector.broadcast %gt3A_142 : f32 to vector<4x48x128xf32>
      %gt3A_144 = arith.cmpf ogt, %div3A, %gt3A_143 : vector<4x48x128xf32>
      %jit3A_145 = arith.constant -1.000000e+09 : f32
      %broadcast_in_dim3A_146 = vector.broadcast %jit3A_145 : f32 to vector<4x48x128xf32>
      %select_n3A_147 = arith.select %gt3A_144, %broadcast_in_dim3A_146, %scan3A_48 : vector<4x48x128xi1>, vector<4x48x128xf32>
      %jit3A_148 = arith.constant -1.000000e+09 : f32
      %broadcast_in_dim3A_149 = vector.broadcast %jit3A_148 : f32 to vector<4x48x128xf32>
      %select_n3A_150 = arith.select %eq3A_74, %broadcast_in_dim3A_149, %select_n3A_147 : vector<4x48x128xi1>, vector<4x48x128xf32>
      %concatenate3A = tpu.concatenate %broadcast_in_dim3A_83, %broadcast_in_dim3A_92, %broadcast_in_dim3A_101, %broadcast_in_dim3A_110 in 2 : vector<4x1x1xf32>, vector<4x1x1xf32>, vector<4x1x1xf32>, vector<4x1x1xf32> -> vector<4x1x4xf32>
      %reshape3A = vector.shape_cast %concatenate3A : vector<4x1x4xf32> to vector<4x4xf32>
      %swap3A = arith.index_cast %scan3A_47 : i32 to index
      %swap3A_151 = arith.constant 0 : index
      %swap3A_152 = arith.constant 0 : index
      %swap3A_153 = vector.load %arg5[%swap3A, %swap3A_151, %swap3A_152] : memref<300x4x4xf32, #tpu.memory_space<vmem>>, vector<1x4x4xf32>
      %swap3A_154 = vector.shape_cast %swap3A_153 : vector<1x4x4xf32> to vector<4x4xf32>
      %swap3A_155 = vector.shape_cast %reshape3A : vector<4x4xf32> to vector<1x4x4xf32>
      tpu.vector_store %arg5[%swap3A, %swap3A_151, %swap3A_152], %swap3A_155 {strides = array<i32>} : memref<300x4x4xf32, #tpu.memory_space<vmem>>, vector<1x4x4xf32>,
      scf.yield %select_n3A_150 : vector<4x48x128xf32>
    }
    %scan3A_46 = arith.constant 300 : i32
    return
  }
}

</mosaic_0001>

<sc_bundles>
// kernel: kernel.5.cloned.1.call-start
scs
__scs_entry_jumppad:
0x0: {  	(pc) =	sbr.rel $0x88, $3  }
0x1: {  	(tag) =	ssettag $0x0;
	lr =	simm.s32 $0x1  }
0x2: {  	[smem:$0x3F9F] =	sst lr;
	_ =	strace $0xD0000000  }
0x3: {  	_ = 	snop  }
0x4: {  	_ = 	snop  }
0x5: {  	_ = 	snop  }
0x6: {  	_ = 	snop  }
0x7: {  	_ = 	snop  }
__scs_overlays_trampoline_lowered:
0x8: {  	[smem:$0x3FAE] =	sst s0  }
0x9: {  	[smem:$0x3FAF] =	sst s1  }
0xa: {  	[smem:$0x3FB0] =	sst s2  }
0xb: {  	[smem:$0x3FB1] =	sst s3  }
0xc: {  	[smem:$0x3FB2] =	sst s4  }
0xd: {  	[smem:$0x3FB3] =	sst s5  }
0xe: {  	[smem:$0x3FB4] =	sst s6  }
0xf: {  	[smem:$0x3FB5] =	sst s7  }
0x10: {  	[smem:$0x3FB6] =	sst s8  }
0x11: {  	[smem:$0x3FB7] =	sst s9;
	s0 =	simm.s32 @!p0 $0x0  }
0x12: {  	s1 =	sld [smem:$0x3F9D];
	s0 =	simm.s32 @p0 $0x1  }
0x13: {  	[smem:$0x3FB8] =	sst s0;
	s0 =	simm.s32 @!p1 $0x0  }
0x14: {  	s2 =	sld [smem:$0x3F9C];
	s0 =	simm.s32 @p1 $0x1  }
0x15: {  	[smem:$0x3FB9] =	sst s0;
	s0 =	simm.s32 @!p2 $0x0  }
0x16: {  	s3 =	sld [smem:$0x3FDB];
	s0 =	simm.s32 @p2 $0x1  }
0x17: {  	s4 =	simm.s32 $0x1BF5;
	[smem:$0x3FBB] =	sst s0  }
0x18: {  	s0 =	sld [smem:$0x3F9E];
	_ =	swait.ge [sflag:s4], $0x0  }
0x19: {  	s7 =	sld [smem:$0x3F9F]  }
0x1a: {  	s8 =	sadd.s32 $0xFFFFE003, lr  }
0x1b: {  	s9 =	sadd.s32 $0xFFFFFEF7, lr;
	s5 =	simm.s32 $0xFFFFFFFF;
	p2 =	slt.u32 s8, $0xFFFFF086  }
0x1c: {  	p1 =	slt.u32 s9, $0xF7A;
	s5 =	simm.s32 @!p2 $0x0  }
0x1d: {  	s5 =	simm.s32 @p1 $0x1;
	p0 =	seq.s32 s7, s2  }
0x1e: {  	s7 =	smul.u32 @!p0 $0xF7A, s2;
	p2 =	seq.s32 @!p0 s5, $0x0  }
0x1f: {  	s9 =	smul.u32 $0xF7A, s1;
	s8 =	simm.s32 @!p0 $0x1BF5;
	p2 =	por !p2, p0  }
0x20: {  	[sflag:s8] =	ssyncset.s32 @!p0 $0xFFFFF086;
	s6 =	sadd.s32 @!p0 s3, s7;
	s7 =	simm.s32 @!p0 $0x108  }
0x21: {  	s3 =	sadd.s32 s3, s9;
	s6 =	sadd.s32 @!p0 $0x88, s6;
	s7 =	simm.s32 @p2 $0x1082  }
0x22: {  	[simem:s7], [sflag:s8] =	dma.local @!p0 [hbm:s6], $0xF7A  }
0x23: {  	s9 =	sor.u32 $0xD0000000, s2;
	s6 =	simm.s32 $0x108;
	_ =	swait.ge @!p0 [sflag:s8], $0x0  }
0x24: {  	s3 =	sadd.s32 $0x88, s3;
	s6 =	simm.s32 @!p1 $0x1082;
	[sflag:s4] =	ssyncset.s32 $0xFFFFF086  }
0x25: {  	[simem:s6], [sflag:s4] =	dma.local [hbm:s3], $0xF7A  }
0x26: {  	[smem:$0x3F9F] =	sst s1;
	(tag) =	ssettag s2;
	_ =	strace s9  }
0x27: {  	s1 =	sld [smem:$0x3FAF]  }
0x28: {  	s2 =	sld [smem:$0x3FB0]  }
0x29: {  	s4 =	sld [smem:$0x3FB2]  }
0x2a: {  	p0 =	seq.s32 s5, $0x0;
	s5 =	sld [smem:$0x3FB3]  }
0x2b: {  	s6 =	sld [smem:$0x3FB4]  }
0x2c: {  	s7 =	sld [smem:$0x3FB5]  }
0x2d: {  	s3 =	simm.s32 $0x108;
	s8 =	sld [smem:$0x3FB6]  }
0x2e: {  	s3 =	simm.s32 @!p0 $0x1082;
	s9 =	sld [smem:$0x3FB7]  }
0x2f: {  	lr =	sadd.s32 s0, s3;
	s0 =	sld [smem:$0x3FAE]  }
0x30: {  	s3 =	sld [smem:$0x3FB1]  }
0x31: {  	[smem:$0x3FBA] =	sst s10  }
0x32: {  	s10 =	sld [smem:$0x3FB8];
	_ =	sdelay $0x3  }
0x33: {  	p0 =	seq.s32 s10, $0x1;
	s10 =	sld [smem:$0x3FBA];
	_ =	sdelay $0x3  }
0x34: {  	[smem:$0x3FBA] =	sst s10  }
0x35: {  	s10 =	sld [smem:$0x3FB9];
	_ =	sdelay $0x3  }
0x36: {  	p1 =	seq.s32 s10, $0x1;
	s10 =	sld [smem:$0x3FBA];
	_ =	sdelay $0x3  }
0x37: {  	[smem:$0x3FBA] =	sst s10  }
0x38: {  	s10 =	sld [smem:$0x3FBB]  }
0x39: {  	_ = 	snop;
	(pc) =	sbr.ind lr, $3  }
0x3a: {  	_ = 	snop  }
0x3b: {  	_ = 	snop  }
0x3c: {  	p2 =	seq.s32 s10, $0x1;
	s10 =	sld [smem:$0x3FBA]  }
0x3d: {  	_ =	shalt  }
0x3e: {  	_ =	shalt  }
0x3f: {  	_ =	shalt  }
0x40: {  	_ =	shalt  }
0x41: {  	_ =	shalt  }
0x42: {  	_ =	shalt  }
0x43: {  	_ =	shalt  }
0x44: {  	_ =	shalt  }
0x45: {  	_ =	shalt  }
0x46: {  	_ =	shalt  }
0x47: {  	_ =	shalt  }
0x48: {  	_ =	shalt  }
0x49: {  	_ =	shalt  }
0x4a: {  	_ =	shalt  }
0x4b: {  	_ =	shalt  }
0x4c: {  	_ =	shalt  }
0x4d: {  	_ =	shalt  }
0x4e: {  	_ =	shalt  }
0x4f: {  	_ =	shalt  }
0x50: {  	_ =	shalt  }
0x51: {  	_ =	shalt  }
0x52: {  	_ =	shalt  }
0x53: {  	_ =	shalt  }
0x54: {  	_ =	shalt  }
0x55: {  	_ =	shalt  }
0x56: {  	_ =	shalt  }
0x57: {  	_ =	shalt  }
0x58: {  	_ =	shalt  }
0x59: {  	_ =	shalt  }
0x5a: {  	_ =	shalt  }
0x5b: {  	_ =	shalt  }
0x5c: {  	_ =	shalt  }
0x5d: {  	_ =	shalt  }
0x5e: {  	_ =	shalt  }
0x5f: {  	_ =	shalt  }
0x60: {  	_ =	shalt  }
0x61: {  	_ =	shalt  }
0x62: {  	_ =	shalt  }
0x63: {  	_ =	shalt  }
0x64: {  	_ =	shalt  }
0x65: {  	_ =	shalt  }
0x66: {  	_ =	shalt  }
0x67: {  	_ =	shalt  }
0x68: {  	_ =	shalt  }
0x69: {  	_ =	shalt  }
0x6a: {  	_ =	shalt  }
0x6b: {  	_ =	shalt  }
0x6c: {  	_ =	shalt  }
0x6d: {  	_ =	shalt  }
0x6e: {  	_ =	shalt  }
0x6f: {  	_ =	shalt  }
0x70: {  	_ =	shalt  }
0x71: {  	_ =	shalt  }
0x72: {  	_ =	shalt  }
0x73: {  	_ =	shalt  }
0x74: {  	_ =	shalt  }
0x75: {  	_ =	shalt  }
0x76: {  	_ =	shalt  }
0x77: {  	_ =	shalt  }
0x78: {  	_ =	shalt  }
0x79: {  	_ =	shalt  }
0x7a: {  	_ =	shalt  }
0x7b: {  	_ =	shalt  }
0x7c: {  	_ =	shalt  }
0x7d: {  	_ =	shalt  }
0x7e: {  	_ =	shalt  }
0x7f: {  	_ =	shalt  }
0x80: {  	_ =	shalt  }
0x81: {  	_ =	shalt  }
0x82: {  	_ =	shalt  }
0x83: {  	_ =	shalt  }
0x84: {  	_ =	shalt  }
0x85: {  	_ =	shalt  }
0x86: {  	_ =	shalt  }
0x87: {  	_ =	shalt  }
.Lfunc_end0:
.L_simem_size_0:
called_computation_lowered:
.L_overlay_start_0:
0x88: {  	s2 =	sld [smem:$0x3FD9]  }
0x89: {  	s3 =	sld [smem:$0x3FFE];
	_ =	sdelay $0x1  }
0x8a: {  	s1 =	srdreg.scid  }
0x8b: {  	s0 =	sand.u32 $0x1, s1  }
0x8c: {  	s16 =	sshll.u32 s0, $0xA;
	s2 =	sadd.s32 s3, s2  }
0x8d: {  	s2 =	sadd.s32 s2, s16  }
0x8e: {  	[smem:$0x3FC6] =	sst s2  }
0x8f: {  	_ = 	snop  }
0x90: {  	(tm) =	ssettm $0x1  }
0x91: {  	s17 =	sld [smem:$0x3FFB];
	_ =	sdelay $0x3  }
0x92: {  	_ =	strace s17  }
0x93: {  	s2 =	sld [smem:$0x3FFC];
	_ =	sdelay $0x3  }
0x94: {  	_ =	strace s2  }
0x95: {  	s2 =	sld [smem:$0x3FFD];
	_ =	sdelay $0x3  }
0x96: {  	_ =	strace s2  }
0x97: {  	_ =	strace $0x8FFFFFFF  }
0x98: {  	s18 =	sld [smem:$0x3FDB];
	_ =	sdelay $0x1  }
0x99: {  	s19 =	simm.s32 $_scs_section_size  }
0x9a: {  	s4 =	simm.s32 $_size__tile_overlayer_lowered;
	s5 =	simm.s32 $_tile_overlayer_lowered  }
0x9b: {  	s22 =	simm.s32 $0x1BFF;
	s21 =	sshll.u32 s5, $0x1;
	s2 =	sadd.s32 s19, s18  }
0x9c: {  	s6 =	simm.s32 $0x0;
	s20 =	sshll.u32 s4, $0x1;
	s4 =	sadd.s32 s21, s2  }
0x9d: {  	[timem:s6], [sflag:s22] =	dma.local [hbm:s4], s20  }
0x9e: {  	_ =	swait.ge [sflag:s22], s20  }
0x9f: {  	s3 =	ssub.s32 $0x0, s20;
	[sflag:s22] =	ssyncset.done $0x0  }
0xa0: {  	[sflag:s22] =	ssyncadd.s32 s3;
	_ =	sdelay $0x1  }
0xa1: {  	s23 =	simm.s32 $0x1B8B  }
0xa2: {  	_ =	swait.ge [sflag:s23], $0x1  }
0xa3: {  	[sflag:s23] =	ssyncset.done $0x0  }
0xa4: {  	s25 =	simm.s32 $0x1B8E;
	s24 =	sld [smem:$0x3FFE];
	[sflag:s23] =	ssyncadd.s32 $0xFFFFFFFF  }
0xa5: {  	s26 =	simm.s32 $execute0_lowered;
	[smem:$0x3FD2] =	sst s25  }
0xa6: {  	s4 =	sshll.u32 s26, $0x1;
	_ =	strace $0x80000046;
	[dreg:$0x1] =	wrdreg $0xFFFFFFFF  }
0xa7: {  	s28 =	simm.s32 $_size_execute0_lowered;
	s2 =	sadd.s32 s2, s4;
	[dreg:$0x0] =	wrdreg $0x0  }
0xa8: {  	s4 =	sshll.u32 s28, $0x1;
	[dreg:$0x2] =	wrdreg s2  }
0xa9: {  	[dreg:$0x3] =	wrdreg s4  }
0xaa: {  	[dreg:$0x4] =	wrdreg $0xC0  }
0xab: {  	_ =	task [dreg:s6], $0x5FFFF  }
0xac: {  	[dreg:$0x1] =	wrdreg $0xFFFFFFFF  }
0xad: {  	[dreg:$0x0] =	wrdreg $0x60  }
0xae: {  	[dreg:$0x2] =	wrdreg s24  }
0xaf: {  	[dreg:$0x3] =	wrdreg $0x9  }
0xb0: {  	_ =	task.clear_ibuf [dreg:s6], $0x4FFFF;
	_ =	strace $0x90000046  }
0xb1: {  	s29 =	simm.s32 $0x9;
	_ =	strace $0x80000048  }
0xb2: {  	_ =	swait.ge [sflag:s29], $0x1  }
0xb3: {  	[sflag:s29] =	ssyncadd.s32 $0xFFFFFFFF  }
0xb4: {  	_ =	strace $0x90000048  }
0xb5: {  	_ =	sfence  }
0xb6: {  	s30 =	sld [smem:$0x0];
	_ =	sdelay $0x2  }
0xb7: {  	s31 =	sshll.u32 s1, $0xD;
	s1 =	sshrl.u32 s1, $0x2  }
0xb8: {  	s3 =	sand.u32 $0x4000, s31;
	s1 =	sadd.s32 s1, s30  }
0xb9: {  	s0 =	sor.u32 s3, s0;
	s1 =	sshll.u32 s1, $0x11  }
0xba: {  	s0 =	sor.u32 s1, s0  }
0xbb: {  	s0 =	sadd.s32 $0x8F2B, s0  }
0xbc: {  	[sflag:s0] =	ssyncadd.remote.s32 $0x1  }
0xbd: {  	_ =	sfence.sel $0xFFFF  }
0xbe: {  	[dreg:$0x0] =	wrdreg $0xFFFFFFFF;
	(pc) =	sbr.abs _section_cstart, $3  }
0xbf: {  	[dreg:$0x1] =	wrdreg $0xFFFFFFFF  }
0xc0: {  	_ =	task.clear_ibuf [dreg:s6], $0x2FFFF;
	_ =	strace $0x9FFFFFFF  }
0xc1: {  	(tm) =	ssettm $0x7FFFFFFF  }
tec
execute0_lowered:
.L_overlay_start_1:
0x0: {  	(tag) =	ssettag $0x1  }
0x1: {  	s1 =	stileid.u32  }
0x2: {  	p0 =	sgt.u32 s1, $0x1  }
.Ltmp0:
0x3: {  	_ = 	snop;
	(pc) =	sbr.rel @p0 .LBB2_5-.Ltmp0, $4  }
0x4: {  	_ = 	snop  }
0x5: {  	s3 =	rddreg [dreg:$0x0];
	s2 =	simm.s32 $0x0  }
0x6: {  	[smem:$0x7FF] =	sst s2  }
0x7: {  	s0 =	rddreg [dreg:$0x1];
	_ =	strace $0x80000047  }
0x8: {  	s4 =	srdreg.scid;
	s31 =	sshll.u32 s1, $0x5  }
0x9: {  	s14 =	sadd.s32 $0x2400, s3;
	s17 =	simm.s32 $0x1;
	s18 =	simm.s32 $0xB400  }
0xa: {  	s19 =	simm.s32 $0x2400;
	s20 =	simm.s32 $0x4800;
	s21 =	simm.s32 $0x6C00  }
0xb: {  	s22 =	simm.s32 $0x9000;
	s23 =	simm.s32 $0xD800;
	s9 =	sand.u32 $0x1, s4  }
0xc: {  	s24 =	simm.s32 $0xF000;
	s25 =	simm.s32 $0x10800;
	s5 =	sshll.u32 s9, $0x4  }
0xd: {  	s26 =	simm.s32 $0x12000;
	s15 =	ssub.s32 $0x2, s9;
	s13 =	sor.u32 s5, s31  }
0xe: {  	s28 =	simm.s32 $0x13800;
	s16 =	sshrl.u32 s15, $0x1;
	s12 =	sadd.s32 s13, s3  }
0xf: {  	s15 =	ssub.s32 s15, s16;
	s13 =	sadd.s32 s14, s13;
	s16 =	simm.s32 $0x200  }
0x10: {  	s3 =	sadd.s32 $0x1200, s12;
	s4 =	sadd.s32 $0x6C00, s12;
	s5 =	sadd.s32 $0x5A00, s12  }
0x11: {  	s6 =	sadd.s32 $0x4800, s12;
	s7 =	sadd.s32 $0x3600, s12;
	s8 =	sadd.s32 $0xAE00, s12  }
0x12: {  	s9 =	sadd.s32 $0xA200, s12;
	s10 =	sadd.s32 $0x9600, s12;
	s11 =	sadd.s32 $0x8A00, s12  }
0x13: {  	v0 =	vimm.f32 $-1.000000000e+09;
	v1 =	vimm.f32 $0.0e+00;
	s12 =	sadd.s32 $0x7E00, s12;
	s14 =	smax.u32 s15, $0x1;
	s15 =	simm.s32 $0x80  }
.LBB2_2:
0x14: {  	s29 =	simm.s32 $0x0  }
0x15: {  	[tilespmem:s29], [sflag:$0x1] =	stream.strided.gather [hbm4b:s13+s15], $0x2400, s16, s15, $0x38;
	[tilespmem:$0x15000] =	vst v63  }
0x16: {  	_ =	swait.ge [sflag:s17], $0x2400  }
0x17: {  	[sflag:s17] =	ssyncset.done $0x0  }
0x18: {  	[sflag:s17] =	ssyncadd.s32 $0xFFFFDC00  }
0x19: {  	[tilespmem:s18], [sflag:$0x1] =	stream.strided.gather [hbm4b:s3+s15], $0x2400, s16, s15, $0x38;
	[tilespmem:$0x15000] =	vst v63  }
0x1a: {  	_ =	swait.ge [sflag:s17], $0x2400  }
0x1b: {  	[sflag:s17] =	ssyncset.done $0x0  }
0x1c: {  	[sflag:s17] =	ssyncadd.s32 $0xFFFFDC00  }
0x1d: {  	[tilespmem:s19], [sflag:$0x1] =	stream.strided.gather [hbm4b:s4+s15], $0x2400, s16, s15, $0x38;
	[tilespmem:$0x15000] =	vst v63  }
0x1e: {  	_ =	swait.ge [sflag:s17], $0x2400  }
0x1f: {  	[sflag:s17] =	ssyncset.done $0x0  }
0x20: {  	[sflag:s17] =	ssyncadd.s32 $0xFFFFDC00  }
0x21: {  	[tilespmem:s20], [sflag:$0x1] =	stream.strided.gather [hbm4b:s5+s15], $0x2400, s16, s15, $0x38;
	[tilespmem:$0x15000] =	vst v63  }
0x22: {  	_ =	swait.ge [sflag:s17], $0x2400  }
0x23: {  	[sflag:s17] =	ssyncset.done $0x0  }
0x24: {  	[sflag:s17] =	ssyncadd.s32 $0xFFFFDC00  }
0x25: {  	[tilespmem:s21], [sflag:$0x1] =	stream.strided.gather [hbm4b:s6+s15], $0x2400, s16, s15, $0x38;
	[tilespmem:$0x15000] =	vst v63  }
0x26: {  	_ =	swait.ge [sflag:s17], $0x2400  }
0x27: {  	[sflag:s17] =	ssyncset.done $0x0  }
0x28: {  	[sflag:s17] =	ssyncadd.s32 $0xFFFFDC00  }
0x29: {  	[tilespmem:s22], [sflag:$0x1] =	stream.strided.gather [hbm4b:s7+s15], $0x2400, s16, s15, $0x38;
	[tilespmem:$0x15000] =	vst v63  }
0x2a: {  	_ =	swait.ge [sflag:s17], $0x2400  }
0x2b: {  	[sflag:s17] =	ssyncset.done $0x0  }
0x2c: {  	s30 =	simm.s32 $0x40;
	s29 =	simm.s32 $0x0;
	[sflag:s17] =	ssyncadd.s32 $0xFFFFDC00  }
.LBB2_3:
0x2d: {  	p0 =	sne.s32 s30, $0x8FC0;
	v2 =	vld [tilespmem:s29+$0x0]  }
0x2e: {  	v3 =	vld [tilespmem:s29+$0xB400];
	_ =	sdelay $0x3  }
0x2f: {  	vm0 =	vgt.f32 v2, $-1.000000000e+08;
	_ =	sdelay $0x5  }
0x30: {  	[tilespmem:v3+s23+$0x0] =	vst.idx.msk vm0, v2  }
0x31: {  	v2 =	vld [tilespmem:s29+$0x2400];
	_ =	sdelay $0x4  }
0x32: {  	[tilespmem:v3+s24+$0x0] =	vst.idx.msk vm0, v2  }
0x33: {  	v2 =	vld [tilespmem:s29+$0x4800];
	_ =	sdelay $0x4  }
0x34: {  	[tilespmem:v3+s25+$0x0] =	vst.idx.msk vm0, v2  }
0x35: {  	v2 =	vld [tilespmem:s29+$0x6C00];
	_ =	sdelay $0x4  }
0x36: {  	[tilespmem:v3+s26+$0x0] =	vst.idx.msk vm0, v2  }
0x37: {  	v2 =	vld [tilespmem:s29+$0x9000]  }
.Ltmp1:
0x38: {  	(pc) =	sbr.rel @p0 .LBB2_3-.Ltmp1, $2  }
0x39: {  	_ =	sdelay $0x2  }
0x3a: {  	s29 =	sshra.s32 s30, $0x2;
	s30 =	sadd.s32 $0x40, s30;
	[tilespmem:v3+s28+$0x0] =	vst.idx.msk vm0, v2  }
0x3b: {  	v2 =	vld [tilespmem:s29+$0x0];
	_ =	sdelay $0x2  }
0x3c: {  	v3 =	vld [tilespmem:s29+$0xB400];
	_ =	sdelay $0x1  }
0x3d: {  	vm0 =	vgt.f32 v2, $-1.000000000e+08;
	_ =	sdelay $0x5  }
0x3e: {  	[tilespmem:v3+s23+$0x0] =	vst.idx.msk vm0, v2  }
0x3f: {  	v2 =	vld [tilespmem:s29+$0x2400];
	_ =	sdelay $0x4  }
0x40: {  	[tilespmem:v3+s24+$0x0] =	vst.idx.msk vm0, v2  }
0x41: {  	v2 =	vld [tilespmem:s29+$0x4800];
	_ =	sdelay $0x4  }
0x42: {  	[tilespmem:v3+s25+$0x0] =	vst.idx.msk vm0, v2  }
0x43: {  	v2 =	vld [tilespmem:s29+$0x6C00];
	_ =	sdelay $0x4  }
0x44: {  	[tilespmem:v3+s26+$0x0] =	vst.idx.msk vm0, v2  }
0x45: {  	v2 =	vld [tilespmem:s29+$0x9000];
	_ =	sdelay $0x4  }
0x46: {  	[tilespmem:v3+s28+$0x0] =	vst.idx.msk vm0, v2  }
0x47: {  	[tilespmem:$0xEF70] =	vst v0  }
0x48: {  	[tilespmem:$0x10770] =	vst v1  }
0x49: {  	[tilespmem:$0x11F70] =	vst v1  }
0x4a: {  	[tilespmem:$0x13770] =	vst v1  }
0x4b: {  	[tilespmem:$0x14F70] =	vst v1  }
0x4c: {  	[tilespmem:$0xEF80] =	vst v0  }
0x4d: {  	[tilespmem:$0x10780] =	vst v1  }
0x4e: {  	[tilespmem:$0x11F80] =	vst v1  }
0x4f: {  	[tilespmem:$0x13780] =	vst v1  }
0x50: {  	[tilespmem:$0x14F80] =	vst v1  }
0x51: {  	[tilespmem:$0xEF90] =	vst v0  }
0x52: {  	[tilespmem:$0x10790] =	vst v1  }
0x53: {  	[tilespmem:$0x11F90] =	vst v1  }
0x54: {  	[tilespmem:$0x13790] =	vst v1  }
0x55: {  	[tilespmem:$0x14F90] =	vst v1  }
0x56: {  	[tilespmem:$0xEFA0] =	vst v0  }
0x57: {  	[tilespmem:$0x107A0] =	vst v1  }
0x58: {  	[tilespmem:$0x11FA0] =	vst v1  }
0x59: {  	[tilespmem:$0x137A0] =	vst v1  }
0x5a: {  	[tilespmem:$0x14FA0] =	vst v1  }
0x5b: {  	[tilespmem:$0xEFB0] =	vst v0  }
0x5c: {  	[tilespmem:$0x107B0] =	vst v1  }
0x5d: {  	[tilespmem:$0x11FB0] =	vst v1  }
0x5e: {  	[tilespmem:$0x137B0] =	vst v1  }
0x5f: {  	[tilespmem:$0x14FB0] =	vst v1  }
0x60: {  	[tilespmem:$0xEFC0] =	vst v0  }
0x61: {  	[tilespmem:$0x107C0] =	vst v1  }
0x62: {  	[tilespmem:$0x11FC0] =	vst v1  }
0x63: {  	[tilespmem:$0x137C0] =	vst v1  }
0x64: {  	[tilespmem:$0x14FC0] =	vst v1  }
0x65: {  	[tilespmem:$0xEFD0] =	vst v0  }
0x66: {  	[tilespmem:$0x107D0] =	vst v1  }
0x67: {  	[tilespmem:$0x11FD0] =	vst v1  }
0x68: {  	[tilespmem:$0x137D0] =	vst v1  }
0x69: {  	[tilespmem:$0x14FD0] =	vst v1  }
0x6a: {  	[tilespmem:$0xEFE0] =	vst v0  }
0x6b: {  	[tilespmem:$0x107E0] =	vst v1  }
0x6c: {  	[tilespmem:$0x11FE0] =	vst v1  }
0x6d: {  	[tilespmem:$0x137E0] =	vst v1  }
0x6e: {  	[tilespmem:$0x14FE0] =	vst v1  }
0x6f: {  	[tilespmem:$0xEFF0] =	vst v0  }
0x70: {  	[tilespmem:$0x107F0] =	vst v1  }
0x71: {  	[tilespmem:$0x11FF0] =	vst v1  }
0x72: {  	[tilespmem:$0x137F0] =	vst v1  }
0x73: {  	[tilespmem:$0x14FF0] =	vst v1  }
0x74: {  	[hbm4b:s8+s15] =	stream.strided.scatter [tilespmem:s23], [sflag:$0x1], $0x1800, s16, s15, $0x38;
	[tilespmem:$0x15000] =	vst v63  }
0x75: {  	_ =	swait.ge [sflag:s17], $0x1800  }
0x76: {  	[sflag:s17] =	ssyncset.done $0x0  }
0x77: {  	[sflag:s17] =	ssyncadd.s32 $0xFFFFE800  }
0x78: {  	[hbm4b:s9+s15] =	stream.strided.scatter [tilespmem:s24], [sflag:$0x1], $0x1800, s16, s15, $0x38;
	[tilespmem:$0x15000] =	vst v63  }
0x79: {  	_ =	swait.ge [sflag:s17], $0x1800  }
0x7a: {  	[sflag:s17] =	ssyncset.done $0x0  }
0x7b: {  	[sflag:s17] =	ssyncadd.s32 $0xFFFFE800  }
0x7c: {  	[hbm4b:s10+s15] =	stream.strided.scatter [tilespmem:s25], [sflag:$0x1], $0x1800, s16, s15, $0x38;
	[tilespmem:$0x15000] =	vst v63  }
0x7d: {  	_ =	swait.ge [sflag:s17], $0x1800  }
0x7e: {  	[sflag:s17] =	ssyncset.done $0x0  }
0x7f: {  	[sflag:s17] =	ssyncadd.s32 $0xFFFFE800  }
0x80: {  	[hbm4b:s11+s15] =	stream.strided.scatter [tilespmem:s26], [sflag:$0x1], $0x1800, s16, s15, $0x38;
	[tilespmem:$0x15000] =	vst v63  }
0x81: {  	s2 =	sadd.s32 $0x1, s2;
	_ =	swait.ge [sflag:s17], $0x1800  }
0x82: {  	p0 =	sne.s32 s2, s14;
	[sflag:s17] =	ssyncset.done $0x0  }
.Ltmp2:
0x83: {  	[sflag:s17] =	ssyncadd.s32 $0xFFFFE800;
	(pc) =	sbr.rel @p0 .LBB2_2-.Ltmp2, $4  }
0x84: {  	[hbm4b:s12+s15] =	stream.strided.scatter [tilespmem:s28], [sflag:$0x1], $0x1800, s16, s15, $0x38;
	[tilespmem:$0x15000] =	vst v63  }
0x85: {  	_ =	swait.ge [sflag:s17], $0x1800  }
0x86: {  	[sflag:s17] =	ssyncset.done $0x0  }
0x87: {  	[sflag:s17] =	ssyncadd.s32 $0xFFFFE800  }
.LBB2_5:
0x88: {  	_ =	sfence.sel $0x180000  }
0x89: {  	[bflag:$0x0] =	sbarrier.arrive $0xFFFF  }
0x8a: {  	p0 =	sne.s32 s1, $0x0;
	_ =	strace $0x90000047  }
0x8b: {  	s0 =	sadd.s32 @!p0 $0x100000, s0;
	[bflag:$0x2] =	sbarrier.arrive $0xFFFF  }
0x8c: {  	[sflag:s0] =	ssyncadd.tile.s32 @!p0 $0x1;
	_ =	shalt  }
.Lfunc_end2:
_tile_overlayer_lowered:
.L_overlay_start_2:
0x8d: {  	(tag) =	ssettag $0x2  }
0x8e: {  	s0 =	rddreg [dreg:$0x0];
	s2 =	stileid.u32  }
0x8f: {  	s1 =	rddreg [dreg:$0x1];
	p0 =	sne.s32 s2, $0x0  }
0x90: {  	s3 =	rddreg [dreg:$0x2];
	[bflag:$0x3] =	sbarrier.arrive $0xFFFF;
	s2 =	simm.s32 @!p0 $0x1C01  }
0x91: {  	[timem:s3], [sflag:s2] =	dma.local @!p0 [hbm:s0], s1  }
0x92: {  	s0 =	simm.s32 @!p0 $0x1  }
0x93: {  	_ =	swait.ge @!p0 [sflag:s0], s1  }
0x94: {  	s1 =	ssub.s32 @!p0 $0x0, s1;
	[sflag:s0] =	ssyncset.done @!p0 $0x0  }
0x95: {  	[sflag:s0] =	ssyncadd.s32 @!p0 s1  }
0x96: {  	[bflag:$0x3] =	sbarrier.arrive $0xFFFF  }
0x97: {  	_ =	shalt  }

</sc_bundles>
